<compile_context>
chip_gen: v7x
topology: tpu7x:2x2x1
jax: 0.10.2.dev20260603
libtpu: 0.0.44.dev20260713+nightly
codegen_flags: <defaults>
</compile_context>

<pallas_src>
import jax
import jax.numpy as jnp
from jax import lax
from jax.experimental import pallas as pl
from jax.experimental.pallas import tpu as pltpu
from jax.experimental.pallas import tpu_sc as plsc

VOCAB = 1000
DIM = 64
BATCH = 4096

NC = 2
NS = 16
NW = NC * NS
LANES = 16
B_PER_W = BATCH // NW
GROUPS = B_PER_W // LANES
CHUNKS = DIM // LANES
HALF = B_PER_W // 2

_GATHER_DNUMS = lax.GatherDimensionNumbers(
    offset_dims=(), collapsed_slice_dims=(0,), start_index_map=(0,))


def _lane_perm(x, idx):
    return lax.gather(
        x, idx[:, None], _GATHER_DNUMS, slice_sizes=(1,),
        mode=lax.GatherScatterMode.PROMISE_IN_BOUNDS)


def _sc_body(ctx_idx_hbm, tgt_idx_hbm, cxt_hbm, emb_hbm, out_hbm,
             cidx_v, tidx_v, crows_v, trows_v, out_v,
             sem_i, sem_a, sem_b):
    wid = lax.axis_index("s") * NC + lax.axis_index("c")
    base = wid * B_PER_W

    ci = pltpu.async_copy(ctx_idx_hbm.at[pl.ds(base, B_PER_W)], cidx_v, sem_i)
    ti = pltpu.async_copy(tgt_idx_hbm.at[pl.ds(base, B_PER_W)], tidx_v, sem_i)
    ci.wait()
    ti.wait()
    cp = []
    for h, sem in ((0, sem_a), (1, sem_b)):
        sl = pl.ds(h * HALF, HALF)
        cp.append(pltpu.async_copy(cxt_hbm.at[cidx_v.at[sl]],
                                   crows_v.at[sl], sem))
        cp.append(pltpu.async_copy(emb_hbm.at[tidx_v.at[sl]],
                                   trows_v.at[sl], sem))

    lane = lax.iota(jnp.int32, LANES)
    bitrev = (((lane & 1) << 3) | ((lane & 2) << 1)
              | ((lane & 4) >> 1) | ((lane & 8) >> 3))

    def combine(a, b, sh):
        keep = (lane & sh) == 0
        return jnp.where(keep, a + _lane_perm(a, lane ^ sh),
                         b + _lane_perm(b, lane ^ sh))

    def do_group(g):
        ps = []
        for j in range(LANES):
            r = g * LANES + j
            p = crows_v[r, pl.ds(0, LANES)] * trows_v[r, pl.ds(0, LANES)]
            for k in range(1, CHUNKS):
                p = p + (crows_v[r, pl.ds(k * LANES, LANES)]
                         * trows_v[r, pl.ds(k * LANES, LANES)])
            ps.append(p)
        for sh in (8, 4, 2, 1):
            ps = [combine(ps[2 * i], ps[2 * i + 1], sh)
                  for i in range(len(ps) // 2)]
        out_v[pl.ds(g * LANES, LANES)] = _lane_perm(ps[0], bitrev)

    def loop_body(g, carry):
        @pl.when(g == 0)
        def _():
            cp[0].wait()
            cp[1].wait()

        @pl.when(g == GROUPS // 2)
        def _():
            cp[2].wait()
            cp[3].wait()

        do_group(g)
        return carry

    lax.fori_loop(0, GROUPS, loop_body, 0)

    pltpu.sync_copy(out_v, out_hbm.at[pl.ds(base, B_PER_W)])


@jax.jit
def _sc_call(context_idxs, target_idxs, cxt_table, emb_table):
    mesh = plsc.VectorSubcoreMesh(core_axis_name="c", subcore_axis_name="s")
    kern = pl.kernel(
        _sc_body,
        mesh=mesh,
        compiler_params=pltpu.CompilerParams(use_tc_tiling_on_sc=False),
        out_type=jax.ShapeDtypeStruct((BATCH,), jnp.float32),
        scratch_types=[
            pltpu.VMEM((B_PER_W,), jnp.int32),
            pltpu.VMEM((B_PER_W,), jnp.int32),
            pltpu.VMEM((B_PER_W, DIM), jnp.float32),
            pltpu.VMEM((B_PER_W, DIM), jnp.float32),
            pltpu.VMEM((B_PER_W,), jnp.float32),
            pltpu.SemaphoreType.DMA,
            pltpu.SemaphoreType.DMA,
            pltpu.SemaphoreType.DMA,
        ],
    )
    return kern(context_idxs, target_idxs, cxt_table, emb_table)


def kernel(context_idxs, target_idxs, cxt_table, emb_table):
    out = _sc_call(context_idxs, target_idxs, cxt_table, emb_table)
    return out.reshape(-1, 1)

# --- scband reference (transcript-rebuilt; emitter-appended) ---
"""Pipeline reference for scband-skip-gram-ns-90890097918493 (READ-ONLY COPY).

The authoritative reference and input builder live on the scoring server;
editing this copy changes nothing except your own understanding.
"""

import jax, jax.numpy as jnp
import numpy as np

VOCAB = 1000
DIM = 64
BATCH = 4096

def setup_inputs(seed: int = 0) -> dict:
    key = jax.random.key(seed)
    k1, k2, k3, k4 = jax.random.split(key, 4)
    context_idxs = jax.random.randint(k1, (BATCH,), 0, VOCAB)
    target_idxs = jax.random.randint(k2, (BATCH,), 0, VOCAB)
    # learned parameters: context embedding table and target embedding table
    cxt_table = jax.random.uniform(k3, (VOCAB, DIM), minval=-0.5 / DIM, maxval=0.5 / DIM, dtype=jnp.float32)
    emb_table = jax.random.uniform(k4, (VOCAB, DIM), minval=-0.5 / DIM, maxval=0.5 / DIM, dtype=jnp.float32)
    return {
        "context_idxs": context_idxs,
        "target_idxs": target_idxs,
        "cxt_table": cxt_table,
        "emb_table": emb_table,
    }

def reference(context_idxs, target_idxs, cxt_table, emb_table):
    # context_vectors = self.cxtEmbeddings(context_idxs)
    context_vectors = jnp.take(cxt_table, context_idxs, axis=0)
    # target_vectors = self.embeddings(target_idxs)
    target_vectors = jnp.take(emb_table, target_idxs, axis=0)
    # inner_products = torch.diagonal(context_vectors @ target_vectors.T).reshape(-1, 1)
    inner_products = jnp.diagonal(context_vectors @ target_vectors.T).reshape(-1, 1)
    return inner_products

if __name__ == "__main__":
    import jax
    _d = setup_inputs()
    print(jax.jit(kernel)(*tuple(_d.values())))

</pallas_src>

<mosaic_0001>
#map = affine_map<(d0, d1) -> (0)>
#map1 = affine_map<(d0, d1) -> (0, 0)>
module attributes {stable_mosaic.version = 14 : i64} {
  func.func @_sc_body(%arg0: i32, %arg1: i32, %arg2: memref<4096xi32, #tpu.memory_space<hbm>>, %arg3: memref<4096xi32, #tpu.memory_space<hbm>>, %arg4: memref<1000x64xf32, #tpu.memory_space<hbm>>, %arg5: memref<1000x64xf32, #tpu.memory_space<hbm>>, %arg6: memref<4096xf32, #tpu.memory_space<hbm>>, %arg7: memref<128xi32, #tpu.memory_space<vmem>>, %arg8: memref<128xi32, #tpu.memory_space<vmem>>, %arg9: memref<128x64xf32, #tpu.memory_space<vmem>>, %arg10: memref<128x64xf32, #tpu.memory_space<vmem>>, %arg11: memref<128xf32, #tpu.memory_space<vmem>>, %arg12: memref<!tpu.dma_semaphore, #tpu.memory_space<semaphore_mem>>, %arg13: memref<!tpu.dma_semaphore, #tpu.memory_space<semaphore_mem>>, %arg14: memref<!tpu.dma_semaphore, #tpu.memory_space<semaphore_mem>>) attributes {dimension_semantics = [#tpu.dimension_semantics<core_parallel>, #tpu.dimension_semantics<subcore_parallel>], iteration_bounds = array<i64: 2, 16>, scalar_prefetch = 0 : i64, scratch_operands = 8 : i64, tpu.core_type = #tpu.core_type<sc_vector_subcore>, window_params = [{transform_indices = #map}, {transform_indices = #map}, {transform_indices = #map1}, {transform_indices = #map1}, {transform_indices = #map}]} {
    %mul3A = arith.constant 2 : i32
    %mul3A_0 = arith.muli %arg1, %mul3A : i32
    %add3A = arith.addi %mul3A_0, %arg0 : i32
    %mul3A_1 = arith.constant 128 : i32
    %mul3A_2 = arith.muli %add3A, %mul3A_1 : i32
    %dma_start3A = tpu.memref_slice %arg2[%mul3A_2] : memref<4096xi32, #tpu.memory_space<hbm>> -> memref<128xi32, #tpu.memory_space<hbm>>
    %dma_start3A_3 = tpu.memref_slice %arg2[%mul3A_2] : memref<4096xi32, #tpu.memory_space<hbm>> -> memref<128xi32, #tpu.memory_space<hbm>>
    tpu.enqueue_dma source(%dma_start3A_3 : memref<128xi32, #tpu.memory_space<hbm>>) target(%arg7 : memref<128xi32, #tpu.memory_space<vmem>>) target_semaphore(%arg12 : memref<!tpu.dma_semaphore, #tpu.memory_space<semaphore_mem>>)
    %dma_start3A_4 = tpu.memref_slice %arg3[%mul3A_2] : memref<4096xi32, #tpu.memory_space<hbm>> -> memref<128xi32, #tpu.memory_space<hbm>>
    %dma_start3A_5 = tpu.memref_slice %arg3[%mul3A_2] : memref<4096xi32, #tpu.memory_space<hbm>> -> memref<128xi32, #tpu.memory_space<hbm>>
    tpu.enqueue_dma source(%dma_start3A_5 : memref<128xi32, #tpu.memory_space<hbm>>) target(%arg8 : memref<128xi32, #tpu.memory_space<vmem>>) target_semaphore(%arg12 : memref<!tpu.dma_semaphore, #tpu.memory_space<semaphore_mem>>)
    %dma_wait3A = tpu.memref_slice %arg2[%mul3A_2] : memref<4096xi32, #tpu.memory_space<hbm>> -> memref<128xi32, #tpu.memory_space<hbm>>
    %dma_wait3A_6 = tpu.memref_slice %arg2[%mul3A_2] : memref<4096xi32, #tpu.memory_space<hbm>> -> memref<128xi32, #tpu.memory_space<hbm>>
    tpu.wait_dma2 semaphore(%arg12 : memref<!tpu.dma_semaphore, #tpu.memory_space<semaphore_mem>>) src(%dma_wait3A_6 : memref<128xi32, #tpu.memory_space<hbm>>) dst(%arg7 : memref<128xi32, #tpu.memory_space<vmem>>)
    %dma_wait3A_7 = tpu.memref_slice %arg3[%mul3A_2] : memref<4096xi32, #tpu.memory_space<hbm>> -> memref<128xi32, #tpu.memory_space<hbm>>
    %dma_wait3A_8 = tpu.memref_slice %arg3[%mul3A_2] : memref<4096xi32, #tpu.memory_space<hbm>> -> memref<128xi32, #tpu.memory_space<hbm>>
    tpu.wait_dma2 semaphore(%arg12 : memref<!tpu.dma_semaphore, #tpu.memory_space<semaphore_mem>>) src(%dma_wait3A_8 : memref<128xi32, #tpu.memory_space<hbm>>) dst(%arg8 : memref<128xi32, #tpu.memory_space<vmem>>)
    %dma_start3A_9 = arith.constant 0 : i32
    %dma_start3A_10 = arith.constant 0 : i32
    %dma_start3A_11 = tpu.memref_slice %arg9[%dma_start3A_9, %dma_start3A_10] : memref<128x64xf32, #tpu.memory_space<vmem>> -> memref<64x64xf32, #tpu.memory_space<vmem>>
    %dma_start3A_12 = arith.constant 0 : i32
    %dma_start3A_13 = tpu.memref_slice %arg7[%dma_start3A_12] : memref<128xi32, #tpu.memory_space<vmem>> -> memref<64xi32, #tpu.memory_space<vmem>>
    %dma_start3A_14 = arith.constant 0 : i32
    %dma_start3A_15 = arith.constant 0 : i32
    %dma_start3A_16 = tpu.memref_slice %arg4[%dma_start3A_14, %dma_start3A_15] : memref<1000x64xf32, #tpu.memory_space<hbm>> -> memref<1000x64xf32, #tpu.memory_space<hbm>>
    tpu.enqueue_indirect_dma source(%dma_start3A_16 : memref<1000x64xf32, #tpu.memory_space<hbm>>) target(%dma_start3A_11 : memref<64x64xf32, #tpu.memory_space<vmem>>) offsets(%dma_start3A_13 : memref<64xi32, #tpu.memory_space<vmem>>) semaphore(%arg13 : memref<!tpu.dma_semaphore, #tpu.memory_space<semaphore_mem>>)
    %dma_start3A_17 = arith.constant 0 : i32
    %dma_start3A_18 = arith.constant 0 : i32
    %dma_start3A_19 = tpu.memref_slice %arg10[%dma_start3A_17, %dma_start3A_18] : memref<128x64xf32, #tpu.memory_space<vmem>> -> memref<64x64xf32, #tpu.memory_space<vmem>>
    %dma_start3A_20 = arith.constant 0 : i32
    %dma_start3A_21 = tpu.memref_slice %arg8[%dma_start3A_20] : memref<128xi32, #tpu.memory_space<vmem>> -> memref<64xi32, #tpu.memory_space<vmem>>
    %dma_start3A_22 = arith.constant 0 : i32
    %dma_start3A_23 = arith.constant 0 : i32
    %dma_start3A_24 = tpu.memref_slice %arg5[%dma_start3A_22, %dma_start3A_23] : memref<1000x64xf32, #tpu.memory_space<hbm>> -> memref<1000x64xf32, #tpu.memory_space<hbm>>
    tpu.enqueue_indirect_dma source(%dma_start3A_24 : memref<1000x64xf32, #tpu.memory_space<hbm>>) target(%dma_start3A_19 : memref<64x64xf32, #tpu.memory_space<vmem>>) offsets(%dma_start3A_21 : memref<64xi32, #tpu.memory_space<vmem>>) semaphore(%arg13 : memref<!tpu.dma_semaphore, #tpu.memory_space<semaphore_mem>>)
    %dma_start3A_25 = arith.constant 64 : i32
    %dma_start3A_26 = arith.constant 0 : i32
    %dma_start3A_27 = tpu.memref_slice %arg9[%dma_start3A_25, %dma_start3A_26] : memref<128x64xf32, #tpu.memory_space<vmem>> -> memref<64x64xf32, #tpu.memory_space<vmem>>
    %dma_start3A_28 = arith.constant 64 : i32
    %dma_start3A_29 = tpu.memref_slice %arg7[%dma_start3A_28] : memref<128xi32, #tpu.memory_space<vmem>> -> memref<64xi32, #tpu.memory_space<vmem>>
    %dma_start3A_30 = arith.constant 0 : i32
    %dma_start3A_31 = arith.constant 0 : i32
    %dma_start3A_32 = tpu.memref_slice %arg4[%dma_start3A_30, %dma_start3A_31] : memref<1000x64xf32, #tpu.memory_space<hbm>> -> memref<1000x64xf32, #tpu.memory_space<hbm>>
    tpu.enqueue_indirect_dma source(%dma_start3A_32 : memref<1000x64xf32, #tpu.memory_space<hbm>>) target(%dma_start3A_27 : memref<64x64xf32, #tpu.memory_space<vmem>>) offsets(%dma_start3A_29 : memref<64xi32, #tpu.memory_space<vmem>>) semaphore(%arg14 : memref<!tpu.dma_semaphore, #tpu.memory_space<semaphore_mem>>)
    %dma_start3A_33 = arith.constant 64 : i32
    %dma_start3A_34 = arith.constant 0 : i32
    %dma_start3A_35 = tpu.memref_slice %arg10[%dma_start3A_33, %dma_start3A_34] : memref<128x64xf32, #tpu.memory_space<vmem>> -> memref<64x64xf32, #tpu.memory_space<vmem>>
    %dma_start3A_36 = arith.constant 64 : i32
    %dma_start3A_37 = tpu.memref_slice %arg8[%dma_start3A_36] : memref<128xi32, #tpu.memory_space<vmem>> -> memref<64xi32, #tpu.memory_space<vmem>>
    %dma_start3A_38 = arith.constant 0 : i32
    %dma_start3A_39 = arith.constant 0 : i32
    %dma_start3A_40 = tpu.memref_slice %arg5[%dma_start3A_38, %dma_start3A_39] : memref<1000x64xf32, #tpu.memory_space<hbm>> -> memref<1000x64xf32, #tpu.memory_space<hbm>>
    tpu.enqueue_indirect_dma source(%dma_start3A_40 : memref<1000x64xf32, #tpu.memory_space<hbm>>) target(%dma_start3A_35 : memref<64x64xf32, #tpu.memory_space<vmem>>) offsets(%dma_start3A_37 : memref<64xi32, #tpu.memory_space<vmem>>) semaphore(%arg14 : memref<!tpu.dma_semaphore, #tpu.memory_space<semaphore_mem>>)
    %iota3A = tpu.iota {dimensions = array<i32: 0>} : vector<16xi32>
    %and3A = arith.constant 1 : i32
    %and3A_41 = vector.broadcast %and3A : i32 to vector<16xi32>
    %and3A_42 = arith.andi %iota3A, %and3A_41 : vector<16xi32>
    %shift_left3A = arith.constant 3 : i32
    %shift_left3A_43 = vector.broadcast %shift_left3A : i32 to vector<16xi32>
    %shift_left3A_44 = arith.shli %and3A_42, %shift_left3A_43 : vector<16xi32>
    %and3A_45 = arith.constant 2 : i32
    %and3A_46 = vector.broadcast %and3A_45 : i32 to vector<16xi32>
    %and3A_47 = arith.andi %iota3A, %and3A_46 : vector<16xi32>
    %shift_left3A_48 = arith.constant 1 : i32
    %shift_left3A_49 = vector.broadcast %shift_left3A_48 : i32 to vector<16xi32>
    %shift_left3A_50 = arith.shli %and3A_47, %shift_left3A_49 : vector<16xi32>
    %or3A = arith.ori %shift_left3A_44, %shift_left3A_50 : vector<16xi32>
    %and3A_51 = arith.constant 4 : i32
    %and3A_52 = vector.broadcast %and3A_51 : i32 to vector<16xi32>
    %and3A_53 = arith.andi %iota3A, %and3A_52 : vector<16xi32>
    %shift_right_arithmetic3A = arith.constant 1 : i32
    %shift_right_arithmetic3A_54 = vector.broadcast %shift_right_arithmetic3A : i32 to vector<16xi32>
    %shift_right_arithmetic3A_55 = arith.shrsi %and3A_53, %shift_right_arithmetic3A_54 : vector<16xi32>
    %or3A_56 = arith.ori %or3A, %shift_right_arithmetic3A_55 : vector<16xi32>
    %and3A_57 = arith.constant 8 : i32
    %and3A_58 = vector.broadcast %and3A_57 : i32 to vector<16xi32>
    %and3A_59 = arith.andi %iota3A, %and3A_58 : vector<16xi32>
    %shift_right_arithmetic3A_60 = arith.constant 3 : i32
    %shift_right_arithmetic3A_61 = vector.broadcast %shift_right_arithmetic3A_60 : i32 to vector<16xi32>
    %shift_right_arithmetic3A_62 = arith.shrsi %and3A_59, %shift_right_arithmetic3A_61 : vector<16xi32>
    %or3A_63 = arith.ori %or3A_56, %shift_right_arithmetic3A_62 : vector<16xi32>
    %scan3A = arith.constant 0 : i32
    %scan3A_64 = arith.constant 0 : i32
    %scan3A_65 = arith.constant 8 : i32
    %scan3A_66 = arith.addi %scan3A_64, %scan3A_65 : i32
    %scan3A_67 = arith.constant 1 : i32
    scf.for %scan3A_69 = %scan3A_64 to %scan3A_66 step %scan3A_67  : i32 {
      %eq3A = arith.constant 0 : i32
      %eq3A_70 = arith.cmpi eq, %scan3A_69, %eq3A : i32
      %convert_element_type3A = arith.extui %eq3A_70 : i1 to i32
      %cond3A = arith.constant 0 : i32
      %cond3A_71 = arith.cmpi ne, %convert_element_type3A, %cond3A : i32
      scf.if %cond3A_71 {
        %dma_wait3A_1083 = arith.constant 0 : i32
        %dma_wait3A_1084 = arith.constant 0 : i32
        %dma_wait3A_1085 = tpu.memref_slice %arg9[%dma_wait3A_1083, %dma_wait3A_1084] : memref<128x64xf32, #tpu.memory_space<vmem>> -> memref<64x64xf32, #tpu.memory_space<vmem>>
        %dma_wait3A_1086 = arith.constant 0 : i32
        %dma_wait3A_1087 = tpu.memref_slice %arg7[%dma_wait3A_1086] : memref<128xi32, #tpu.memory_space<vmem>> -> memref<64xi32, #tpu.memory_space<vmem>>
        %dma_wait3A_1088 = arith.constant 0 : i32
        %dma_wait3A_1089 = arith.constant 0 : i32
        %dma_wait3A_1090 = tpu.memref_slice %arg4[%dma_wait3A_1088, %dma_wait3A_1089] : memref<1000x64xf32, #tpu.memory_space<hbm>> -> memref<1000x64xf32, #tpu.memory_space<hbm>>
        tpu.wait_indirect_dma semaphore(%arg13 : memref<!tpu.dma_semaphore, #tpu.memory_space<semaphore_mem>>) src(%dma_wait3A_1090 : memref<1000x64xf32, #tpu.memory_space<hbm>>) dst(%dma_wait3A_1085 : memref<64x64xf32, #tpu.memory_space<vmem>>)
        %dma_wait3A_1091 = arith.constant 0 : i32
        %dma_wait3A_1092 = arith.constant 0 : i32
        %dma_wait3A_1093 = tpu.memref_slice %arg10[%dma_wait3A_1091, %dma_wait3A_1092] : memref<128x64xf32, #tpu.memory_space<vmem>> -> memref<64x64xf32, #tpu.memory_space<vmem>>
        %dma_wait3A_1094 = arith.constant 0 : i32
        %dma_wait3A_1095 = tpu.memref_slice %arg8[%dma_wait3A_1094] : memref<128xi32, #tpu.memory_space<vmem>> -> memref<64xi32, #tpu.memory_space<vmem>>
        %dma_wait3A_1096 = arith.constant 0 : i32
        %dma_wait3A_1097 = arith.constant 0 : i32
        %dma_wait3A_1098 = tpu.memref_slice %arg5[%dma_wait3A_1096, %dma_wait3A_1097] : memref<1000x64xf32, #tpu.memory_space<hbm>> -> memref<1000x64xf32, #tpu.memory_space<hbm>>
        tpu.wait_indirect_dma semaphore(%arg13 : memref<!tpu.dma_semaphore, #tpu.memory_space<semaphore_mem>>) src(%dma_wait3A_1098 : memref<1000x64xf32, #tpu.memory_space<hbm>>) dst(%dma_wait3A_1093 : memref<64x64xf32, #tpu.memory_space<vmem>>)
      } else {
      }
      %eq3A_72 = arith.constant 4 : i32
      %eq3A_73 = arith.cmpi eq, %scan3A_69, %eq3A_72 : i32
      %convert_element_type3A_74 = arith.extui %eq3A_73 : i1 to i32
      %cond3A_75 = arith.constant 0 : i32
      %cond3A_76 = arith.cmpi ne, %convert_element_type3A_74, %cond3A_75 : i32
      scf.if %cond3A_76 {
        %dma_wait3A_1083 = arith.constant 64 : i32
        %dma_wait3A_1084 = arith.constant 0 : i32
        %dma_wait3A_1085 = tpu.memref_slice %arg9[%dma_wait3A_1083, %dma_wait3A_1084] : memref<128x64xf32, #tpu.memory_space<vmem>> -> memref<64x64xf32, #tpu.memory_space<vmem>>
        %dma_wait3A_1086 = arith.constant 64 : i32
        %dma_wait3A_1087 = tpu.memref_slice %arg7[%dma_wait3A_1086] : memref<128xi32, #tpu.memory_space<vmem>> -> memref<64xi32, #tpu.memory_space<vmem>>
        %dma_wait3A_1088 = arith.constant 0 : i32
        %dma_wait3A_1089 = arith.constant 0 : i32
        %dma_wait3A_1090 = tpu.memref_slice %arg4[%dma_wait3A_1088, %dma_wait3A_1089] : memref<1000x64xf32, #tpu.memory_space<hbm>> -> memref<1000x64xf32, #tpu.memory_space<hbm>>
        tpu.wait_indirect_dma semaphore(%arg14 : memref<!tpu.dma_semaphore, #tpu.memory_space<semaphore_mem>>) src(%dma_wait3A_1090 : memref<1000x64xf32, #tpu.memory_space<hbm>>) dst(%dma_wait3A_1085 : memref<64x64xf32, #tpu.memory_space<vmem>>)
        %dma_wait3A_1091 = arith.constant 64 : i32
        %dma_wait3A_1092 = arith.constant 0 : i32
        %dma_wait3A_1093 = tpu.memref_slice %arg10[%dma_wait3A_1091, %dma_wait3A_1092] : memref<128x64xf32, #tpu.memory_space<vmem>> -> memref<64x64xf32, #tpu.memory_space<vmem>>
        %dma_wait3A_1094 = arith.constant 64 : i32
        %dma_wait3A_1095 = tpu.memref_slice %arg8[%dma_wait3A_1094] : memref<128xi32, #tpu.memory_space<vmem>> -> memref<64xi32, #tpu.memory_space<vmem>>
        %dma_wait3A_1096 = arith.constant 0 : i32
        %dma_wait3A_1097 = arith.constant 0 : i32
        %dma_wait3A_1098 = tpu.memref_slice %arg5[%dma_wait3A_1096, %dma_wait3A_1097] : memref<1000x64xf32, #tpu.memory_space<hbm>> -> memref<1000x64xf32, #tpu.memory_space<hbm>>
        tpu.wait_indirect_dma semaphore(%arg14 : memref<!tpu.dma_semaphore, #tpu.memory_space<semaphore_mem>>) src(%dma_wait3A_1098 : memref<1000x64xf32, #tpu.memory_space<hbm>>) dst(%dma_wait3A_1093 : memref<64x64xf32, #tpu.memory_space<vmem>>)
      } else {
      }
      %mul3A_77 = arith.constant 16 : i32
      %mul3A_78 = arith.muli %scan3A_69, %mul3A_77 : i32
      %add3A_79 = arith.constant 0 : i32
      %add3A_80 = arith.addi %mul3A_78, %add3A_79 : i32
      %get3A = arith.index_cast %add3A_80 : i32 to index
      %get3A_81 = arith.constant 0 : index
      %get3A_82 = tpu.vector_load %arg9[%get3A, %get3A_81] {strides = array<i32>} : memref<128x64xf32, #tpu.memory_space<vmem>>, vector<1x16xf32>,
      %get3A_83 = vector.shape_cast %get3A_82 : vector<1x16xf32> to vector<16xf32>
      %get3A_84 = arith.index_cast %add3A_80 : i32 to index
      %get3A_85 = arith.constant 0 : index
      %get3A_86 = tpu.vector_load %arg10[%get3A_84, %get3A_85] {strides = array<i32>} : memref<128x64xf32, #tpu.memory_space<vmem>>, vector<1x16xf32>,
      %get3A_87 = vector.shape_cast %get3A_86 : vector<1x16xf32> to vector<16xf32>
      %mul3A_88 = arith.mulf %get3A_83, %get3A_87 : vector<16xf32>
      %get3A_89 = arith.index_cast %add3A_80 : i32 to index
      %get3A_90 = arith.constant 16 : index
      %get3A_91 = tpu.vector_load %arg9[%get3A_89, %get3A_90] {strides = array<i32>} : memref<128x64xf32, #tpu.memory_space<vmem>>, vector<1x16xf32>,
      %get3A_92 = vector.shape_cast %get3A_91 : vector<1x16xf32> to vector<16xf32>
      %get3A_93 = arith.index_cast %add3A_80 : i32 to index
      %get3A_94 = arith.constant 16 : index
      %get3A_95 = tpu.vector_load %arg10[%get3A_93, %get3A_94] {strides = array<i32>} : memref<128x64xf32, #tpu.memory_space<vmem>>, vector<1x16xf32>,
      %get3A_96 = vector.shape_cast %get3A_95 : vector<1x16xf32> to vector<16xf32>
      %mul3A_97 = arith.mulf %get3A_92, %get3A_96 : vector<16xf32>
      %add3A_98 = arith.addf %mul3A_88, %mul3A_97 : vector<16xf32>
      %get3A_99 = arith.index_cast %add3A_80 : i32 to index
      %get3A_100 = arith.constant 32 : index
      %get3A_101 = tpu.vector_load %arg9[%get3A_99, %get3A_100] {strides = array<i32>} : memref<128x64xf32, #tpu.memory_space<vmem>>, vector<1x16xf32>,
      %get3A_102 = vector.shape_cast %get3A_101 : vector<1x16xf32> to vector<16xf32>
      %get3A_103 = arith.index_cast %add3A_80 : i32 to index
      %get3A_104 = arith.constant 32 : index
      %get3A_105 = tpu.vector_load %arg10[%get3A_103, %get3A_104] {strides = array<i32>} : memref<128x64xf32, #tpu.memory_space<vmem>>, vector<1x16xf32>,
      %get3A_106 = vector.shape_cast %get3A_105 : vector<1x16xf32> to vector<16xf32>
      %mul3A_107 = arith.mulf %get3A_102, %get3A_106 : vector<16xf32>
      %add3A_108 = arith.addf %add3A_98, %mul3A_107 : vector<16xf32>
      %get3A_109 = arith.index_cast %add3A_80 : i32 to index
      %get3A_110 = arith.constant 48 : index
      %get3A_111 = tpu.vector_load %arg9[%get3A_109, %get3A_110] {strides = array<i32>} : memref<128x64xf32, #tpu.memory_space<vmem>>, vector<1x16xf32>,
      %get3A_112 = vector.shape_cast %get3A_111 : vector<1x16xf32> to vector<16xf32>
      %get3A_113 = arith.index_cast %add3A_80 : i32 to index
      %get3A_114 = arith.constant 48 : index
      %get3A_115 = tpu.vector_load %arg10[%get3A_113, %get3A_114] {strides = array<i32>} : memref<128x64xf32, #tpu.memory_space<vmem>>, vector<1x16xf32>,
      %get3A_116 = vector.shape_cast %get3A_115 : vector<1x16xf32> to vector<16xf32>
      %mul3A_117 = arith.mulf %get3A_112, %get3A_116 : vector<16xf32>
      %add3A_118 = arith.addf %add3A_108, %mul3A_117 : vector<16xf32>
      %mul3A_119 = arith.constant 16 : i32
      %mul3A_120 = arith.muli %scan3A_69, %mul3A_119 : i32
      %add3A_121 = arith.constant 1 : i32
      %add3A_122 = arith.addi %mul3A_120, %add3A_121 : i32
      %get3A_123 = arith.index_cast %add3A_122 : i32 to index
      %get3A_124 = arith.constant 0 : index
      %get3A_125 = tpu.vector_load %arg9[%get3A_123, %get3A_124] {strides = array<i32>} : memref<128x64xf32, #tpu.memory_space<vmem>>, vector<1x16xf32>,
      %get3A_126 = vector.shape_cast %get3A_125 : vector<1x16xf32> to vector<16xf32>
      %get3A_127 = arith.index_cast %add3A_122 : i32 to index
      %get3A_128 = arith.constant 0 : index
      %get3A_129 = tpu.vector_load %arg10[%get3A_127, %get3A_128] {strides = array<i32>} : memref<128x64xf32, #tpu.memory_space<vmem>>, vector<1x16xf32>,
      %get3A_130 = vector.shape_cast %get3A_129 : vector<1x16xf32> to vector<16xf32>
      %mul3A_131 = arith.mulf %get3A_126, %get3A_130 : vector<16xf32>
      %get3A_132 = arith.index_cast %add3A_122 : i32 to index
      %get3A_133 = arith.constant 16 : index
      %get3A_134 = tpu.vector_load %arg9[%get3A_132, %get3A_133] {strides = array<i32>} : memref<128x64xf32, #tpu.memory_space<vmem>>, vector<1x16xf32>,
      %get3A_135 = vector.shape_cast %get3A_134 : vector<1x16xf32> to vector<16xf32>
      %get3A_136 = arith.index_cast %add3A_122 : i32 to index
      %get3A_137 = arith.constant 16 : index
      %get3A_138 = tpu.vector_load %arg10[%get3A_136, %get3A_137] {strides = array<i32>} : memref<128x64xf32, #tpu.memory_space<vmem>>, vector<1x16xf32>,
      %get3A_139 = vector.shape_cast %get3A_138 : vector<1x16xf32> to vector<16xf32>
      %mul3A_140 = arith.mulf %get3A_135, %get3A_139 : vector<16xf32>
      %add3A_141 = arith.addf %mul3A_131, %mul3A_140 : vector<16xf32>
      %get3A_142 = arith.index_cast %add3A_122 : i32 to index
      %get3A_143 = arith.constant 32 : index
      %get3A_144 = tpu.vector_load %arg9[%get3A_142, %get3A_143] {strides = array<i32>} : memref<128x64xf32, #tpu.memory_space<vmem>>, vector<1x16xf32>,
      %get3A_145 = vector.shape_cast %get3A_144 : vector<1x16xf32> to vector<16xf32>
      %get3A_146 = arith.index_cast %add3A_122 : i32 to index
      %get3A_147 = arith.constant 32 : index
      %get3A_148 = tpu.vector_load %arg10[%get3A_146, %get3A_147] {strides = array<i32>} : memref<128x64xf32, #tpu.memory_space<vmem>>, vector<1x16xf32>,
      %get3A_149 = vector.shape_cast %get3A_148 : vector<1x16xf32> to vector<16xf32>
      %mul3A_150 = arith.mulf %get3A_145, %get3A_149 : vector<16xf32>
      %add3A_151 = arith.addf %add3A_141, %mul3A_150 : vector<16xf32>
      %get3A_152 = arith.index_cast %add3A_122 : i32 to index
      %get3A_153 = arith.constant 48 : index
      %get3A_154 = tpu.vector_load %arg9[%get3A_152, %get3A_153] {strides = array<i32>} : memref<128x64xf32, #tpu.memory_space<vmem>>, vector<1x16xf32>,
      %get3A_155 = vector.shape_cast %get3A_154 : vector<1x16xf32> to vector<16xf32>
      %get3A_156 = arith.index_cast %add3A_122 : i32 to index
      %get3A_157 = arith.constant 48 : index
      %get3A_158 = tpu.vector_load %arg10[%get3A_156, %get3A_157] {strides = array<i32>} : memref<128x64xf32, #tpu.memory_space<vmem>>, vector<1x16xf32>,
      %get3A_159 = vector.shape_cast %get3A_158 : vector<1x16xf32> to vector<16xf32>
      %mul3A_160 = arith.mulf %get3A_155, %get3A_159 : vector<16xf32>
      %add3A_161 = arith.addf %add3A_151, %mul3A_160 : vector<16xf32>
      %mul3A_162 = arith.constant 16 : i32
      %mul3A_163 = arith.muli %scan3A_69, %mul3A_162 : i32
      %add3A_164 = arith.constant 2 : i32
      %add3A_165 = arith.addi %mul3A_163, %add3A_164 : i32
      %get3A_166 = arith.index_cast %add3A_165 : i32 to index
      %get3A_167 = arith.constant 0 : index
      %get3A_168 = tpu.vector_load %arg9[%get3A_166, %get3A_167] {strides = array<i32>} : memref<128x64xf32, #tpu.memory_space<vmem>>, vector<1x16xf32>,
      %get3A_169 = vector.shape_cast %get3A_168 : vector<1x16xf32> to vector<16xf32>
      %get3A_170 = arith.index_cast %add3A_165 : i32 to index
      %get3A_171 = arith.constant 0 : index
      %get3A_172 = tpu.vector_load %arg10[%get3A_170, %get3A_171] {strides = array<i32>} : memref<128x64xf32, #tpu.memory_space<vmem>>, vector<1x16xf32>,
      %get3A_173 = vector.shape_cast %get3A_172 : vector<1x16xf32> to vector<16xf32>
      %mul3A_174 = arith.mulf %get3A_169, %get3A_173 : vector<16xf32>
      %get3A_175 = arith.index_cast %add3A_165 : i32 to index
      %get3A_176 = arith.constant 16 : index
      %get3A_177 = tpu.vector_load %arg9[%get3A_175, %get3A_176] {strides = array<i32>} : memref<128x64xf32, #tpu.memory_space<vmem>>, vector<1x16xf32>,
      %get3A_178 = vector.shape_cast %get3A_177 : vector<1x16xf32> to vector<16xf32>
      %get3A_179 = arith.index_cast %add3A_165 : i32 to index
      %get3A_180 = arith.constant 16 : index
      %get3A_181 = tpu.vector_load %arg10[%get3A_179, %get3A_180] {strides = array<i32>} : memref<128x64xf32, #tpu.memory_space<vmem>>, vector<1x16xf32>,
      %get3A_182 = vector.shape_cast %get3A_181 : vector<1x16xf32> to vector<16xf32>
      %mul3A_183 = arith.mulf %get3A_178, %get3A_182 : vector<16xf32>
      %add3A_184 = arith.addf %mul3A_174, %mul3A_183 : vector<16xf32>
      %get3A_185 = arith.index_cast %add3A_165 : i32 to index
      %get3A_186 = arith.constant 32 : index
      %get3A_187 = tpu.vector_load %arg9[%get3A_185, %get3A_186] {strides = array<i32>} : memref<128x64xf32, #tpu.memory_space<vmem>>, vector<1x16xf32>,
      %get3A_188 = vector.shape_cast %get3A_187 : vector<1x16xf32> to vector<16xf32>
      %get3A_189 = arith.index_cast %add3A_165 : i32 to index
      %get3A_190 = arith.constant 32 : index
      %get3A_191 = tpu.vector_load %arg10[%get3A_189, %get3A_190] {strides = array<i32>} : memref<128x64xf32, #tpu.memory_space<vmem>>, vector<1x16xf32>,
      %get3A_192 = vector.shape_cast %get3A_191 : vector<1x16xf32> to vector<16xf32>
      %mul3A_193 = arith.mulf %get3A_188, %get3A_192 : vector<16xf32>
      %add3A_194 = arith.addf %add3A_184, %mul3A_193 : vector<16xf32>
      %get3A_195 = arith.index_cast %add3A_165 : i32 to index
      %get3A_196 = arith.constant 48 : index
      %get3A_197 = tpu.vector_load %arg9[%get3A_195, %get3A_196] {strides = array<i32>} : memref<128x64xf32, #tpu.memory_space<vmem>>, vector<1x16xf32>,
      %get3A_198 = vector.shape_cast %get3A_197 : vector<1x16xf32> to vector<16xf32>
      %get3A_199 = arith.index_cast %add3A_165 : i32 to index
      %get3A_200 = arith.constant 48 : index
      %get3A_201 = tpu.vector_load %arg10[%get3A_199, %get3A_200] {strides = array<i32>} : memref<128x64xf32, #tpu.memory_space<vmem>>, vector<1x16xf32>,
      %get3A_202 = vector.shape_cast %get3A_201 : vector<1x16xf32> to vector<16xf32>
      %mul3A_203 = arith.mulf %get3A_198, %get3A_202 : vector<16xf32>
      %add3A_204 = arith.addf %add3A_194, %mul3A_203 : vector<16xf32>
      %mul3A_205 = arith.constant 16 : i32
      %mul3A_206 = arith.muli %scan3A_69, %mul3A_205 : i32
      %add3A_207 = arith.constant 3 : i32
      %add3A_208 = arith.addi %mul3A_206, %add3A_207 : i32
      %get3A_209 = arith.index_cast %add3A_208 : i32 to index
      %get3A_210 = arith.constant 0 : index
      %get3A_211 = tpu.vector_load %arg9[%get3A_209, %get3A_210] {strides = array<i32>} : memref<128x64xf32, #tpu.memory_space<vmem>>, vector<1x16xf32>,
      %get3A_212 = vector.shape_cast %get3A_211 : vector<1x16xf32> to vector<16xf32>
      %get3A_213 = arith.index_cast %add3A_208 : i32 to index
      %get3A_214 = arith.constant 0 : index
      %get3A_215 = tpu.vector_load %arg10[%get3A_213, %get3A_214] {strides = array<i32>} : memref<128x64xf32, #tpu.memory_space<vmem>>, vector<1x16xf32>,
      %get3A_216 = vector.shape_cast %get3A_215 : vector<1x16xf32> to vector<16xf32>
      %mul3A_217 = arith.mulf %get3A_212, %get3A_216 : vector<16xf32>
      %get3A_218 = arith.index_cast %add3A_208 : i32 to index
      %get3A_219 = arith.constant 16 : index
      %get3A_220 = tpu.vector_load %arg9[%get3A_218, %get3A_219] {strides = array<i32>} : memref<128x64xf32, #tpu.memory_space<vmem>>, vector<1x16xf32>,
      %get3A_221 = vector.shape_cast %get3A_220 : vector<1x16xf32> to vector<16xf32>
      %get3A_222 = arith.index_cast %add3A_208 : i32 to index
      %get3A_223 = arith.constant 16 : index
      %get3A_224 = tpu.vector_load %arg10[%get3A_222, %get3A_223] {strides = array<i32>} : memref<128x64xf32, #tpu.memory_space<vmem>>, vector<1x16xf32>,
      %get3A_225 = vector.shape_cast %get3A_224 : vector<1x16xf32> to vector<16xf32>
      %mul3A_226 = arith.mulf %get3A_221, %get3A_225 : vector<16xf32>
      %add3A_227 = arith.addf %mul3A_217, %mul3A_226 : vector<16xf32>
      %get3A_228 = arith.index_cast %add3A_208 : i32 to index
      %get3A_229 = arith.constant 32 : index
      %get3A_230 = tpu.vector_load %arg9[%get3A_228, %get3A_229] {strides = array<i32>} : memref<128x64xf32, #tpu.memory_space<vmem>>, vector<1x16xf32>,
      %get3A_231 = vector.shape_cast %get3A_230 : vector<1x16xf32> to vector<16xf32>
      %get3A_232 = arith.index_cast %add3A_208 : i32 to index
      %get3A_233 = arith.constant 32 : index
      %get3A_234 = tpu.vector_load %arg10[%get3A_232, %get3A_233] {strides = array<i32>} : memref<128x64xf32, #tpu.memory_space<vmem>>, vector<1x16xf32>,
      %get3A_235 = vector.shape_cast %get3A_234 : vector<1x16xf32> to vector<16xf32>
      %mul3A_236 = arith.mulf %get3A_231, %get3A_235 : vector<16xf32>
      %add3A_237 = arith.addf %add3A_227, %mul3A_236 : vector<16xf32>
      %get3A_238 = arith.index_cast %add3A_208 : i32 to index
      %get3A_239 = arith.constant 48 : index
      %get3A_240 = tpu.vector_load %arg9[%get3A_238, %get3A_239] {strides = array<i32>} : memref<128x64xf32, #tpu.memory_space<vmem>>, vector<1x16xf32>,
      %get3A_241 = vector.shape_cast %get3A_240 : vector<1x16xf32> to vector<16xf32>
      %get3A_242 = arith.index_cast %add3A_208 : i32 to index
      %get3A_243 = arith.constant 48 : index
      %get3A_244 = tpu.vector_load %arg10[%get3A_242, %get3A_243] {strides = array<i32>} : memref<128x64xf32, #tpu.memory_space<vmem>>, vector<1x16xf32>,
      %get3A_245 = vector.shape_cast %get3A_244 : vector<1x16xf32> to vector<16xf32>
      %mul3A_246 = arith.mulf %get3A_241, %get3A_245 : vector<16xf32>
      %add3A_247 = arith.addf %add3A_237, %mul3A_246 : vector<16xf32>
      %mul3A_248 = arith.constant 16 : i32
      %mul3A_249 = arith.muli %scan3A_69, %mul3A_248 : i32
      %add3A_250 = arith.constant 4 : i32
      %add3A_251 = arith.addi %mul3A_249, %add3A_250 : i32
      %get3A_252 = arith.index_cast %add3A_251 : i32 to index
      %get3A_253 = arith.constant 0 : index
      %get3A_254 = tpu.vector_load %arg9[%get3A_252, %get3A_253] {strides = array<i32>} : memref<128x64xf32, #tpu.memory_space<vmem>>, vector<1x16xf32>,
      %get3A_255 = vector.shape_cast %get3A_254 : vector<1x16xf32> to vector<16xf32>
      %get3A_256 = arith.index_cast %add3A_251 : i32 to index
      %get3A_257 = arith.constant 0 : index
      %get3A_258 = tpu.vector_load %arg10[%get3A_256, %get3A_257] {strides = array<i32>} : memref<128x64xf32, #tpu.memory_space<vmem>>, vector<1x16xf32>,
      %get3A_259 = vector.shape_cast %get3A_258 : vector<1x16xf32> to vector<16xf32>
      %mul3A_260 = arith.mulf %get3A_255, %get3A_259 : vector<16xf32>
      %get3A_261 = arith.index_cast %add3A_251 : i32 to index
      %get3A_262 = arith.constant 16 : index
      %get3A_263 = tpu.vector_load %arg9[%get3A_261, %get3A_262] {strides = array<i32>} : memref<128x64xf32, #tpu.memory_space<vmem>>, vector<1x16xf32>,
      %get3A_264 = vector.shape_cast %get3A_263 : vector<1x16xf32> to vector<16xf32>
      %get3A_265 = arith.index_cast %add3A_251 : i32 to index
      %get3A_266 = arith.constant 16 : index
      %get3A_267 = tpu.vector_load %arg10[%get3A_265, %get3A_266] {strides = array<i32>} : memref<128x64xf32, #tpu.memory_space<vmem>>, vector<1x16xf32>,
      %get3A_268 = vector.shape_cast %get3A_267 : vector<1x16xf32> to vector<16xf32>
      %mul3A_269 = arith.mulf %get3A_264, %get3A_268 : vector<16xf32>
      %add3A_270 = arith.addf %mul3A_260, %mul3A_269 : vector<16xf32>
      %get3A_271 = arith.index_cast %add3A_251 : i32 to index
      %get3A_272 = arith.constant 32 : index
      %get3A_273 = tpu.vector_load %arg9[%get3A_271, %get3A_272] {strides = array<i32>} : memref<128x64xf32, #tpu.memory_space<vmem>>, vector<1x16xf32>,
      %get3A_274 = vector.shape_cast %get3A_273 : vector<1x16xf32> to vector<16xf32>
      %get3A_275 = arith.index_cast %add3A_251 : i32 to index
      %get3A_276 = arith.constant 32 : index
      %get3A_277 = tpu.vector_load %arg10[%get3A_275, %get3A_276] {strides = array<i32>} : memref<128x64xf32, #tpu.memory_space<vmem>>, vector<1x16xf32>,
      %get3A_278 = vector.shape_cast %get3A_277 : vector<1x16xf32> to vector<16xf32>
      %mul3A_279 = arith.mulf %get3A_274, %get3A_278 : vector<16xf32>
      %add3A_280 = arith.addf %add3A_270, %mul3A_279 : vector<16xf32>
      %get3A_281 = arith.index_cast %add3A_251 : i32 to index
      %get3A_282 = arith.constant 48 : index
      %get3A_283 = tpu.vector_load %arg9[%get3A_281, %get3A_282] {strides = array<i32>} : memref<128x64xf32, #tpu.memory_space<vmem>>, vector<1x16xf32>,
      %get3A_284 = vector.shape_cast %get3A_283 : vector<1x16xf32> to vector<16xf32>
      %get3A_285 = arith.index_cast %add3A_251 : i32 to index
      %get3A_286 = arith.constant 48 : index
      %get3A_287 = tpu.vector_load %arg10[%get3A_285, %get3A_286] {strides = array<i32>} : memref<128x64xf32, #tpu.memory_space<vmem>>, vector<1x16xf32>,
      %get3A_288 = vector.shape_cast %get3A_287 : vector<1x16xf32> to vector<16xf32>
      %mul3A_289 = arith.mulf %get3A_284, %get3A_288 : vector<16xf32>
      %add3A_290 = arith.addf %add3A_280, %mul3A_289 : vector<16xf32>
      %mul3A_291 = arith.constant 16 : i32
      %mul3A_292 = arith.muli %scan3A_69, %mul3A_291 : i32
      %add3A_293 = arith.constant 5 : i32
      %add3A_294 = arith.addi %mul3A_292, %add3A_293 : i32
      %get3A_295 = arith.index_cast %add3A_294 : i32 to index
      %get3A_296 = arith.constant 0 : index
      %get3A_297 = tpu.vector_load %arg9[%get3A_295, %get3A_296] {strides = array<i32>} : memref<128x64xf32, #tpu.memory_space<vmem>>, vector<1x16xf32>,
      %get3A_298 = vector.shape_cast %get3A_297 : vector<1x16xf32> to vector<16xf32>
      %get3A_299 = arith.index_cast %add3A_294 : i32 to index
      %get3A_300 = arith.constant 0 : index
      %get3A_301 = tpu.vector_load %arg10[%get3A_299, %get3A_300] {strides = array<i32>} : memref<128x64xf32, #tpu.memory_space<vmem>>, vector<1x16xf32>,
      %get3A_302 = vector.shape_cast %get3A_301 : vector<1x16xf32> to vector<16xf32>
      %mul3A_303 = arith.mulf %get3A_298, %get3A_302 : vector<16xf32>
      %get3A_304 = arith.index_cast %add3A_294 : i32 to index
      %get3A_305 = arith.constant 16 : index
      %get3A_306 = tpu.vector_load %arg9[%get3A_304, %get3A_305] {strides = array<i32>} : memref<128x64xf32, #tpu.memory_space<vmem>>, vector<1x16xf32>,
      %get3A_307 = vector.shape_cast %get3A_306 : vector<1x16xf32> to vector<16xf32>
      %get3A_308 = arith.index_cast %add3A_294 : i32 to index
      %get3A_309 = arith.constant 16 : index
      %get3A_310 = tpu.vector_load %arg10[%get3A_308, %get3A_309] {strides = array<i32>} : memref<128x64xf32, #tpu.memory_space<vmem>>, vector<1x16xf32>,
      %get3A_311 = vector.shape_cast %get3A_310 : vector<1x16xf32> to vector<16xf32>
      %mul3A_312 = arith.mulf %get3A_307, %get3A_311 : vector<16xf32>
      %add3A_313 = arith.addf %mul3A_303, %mul3A_312 : vector<16xf32>
      %get3A_314 = arith.index_cast %add3A_294 : i32 to index
      %get3A_315 = arith.constant 32 : index
      %get3A_316 = tpu.vector_load %arg9[%get3A_314, %get3A_315] {strides = array<i32>} : memref<128x64xf32, #tpu.memory_space<vmem>>, vector<1x16xf32>,
      %get3A_317 = vector.shape_cast %get3A_316 : vector<1x16xf32> to vector<16xf32>
      %get3A_318 = arith.index_cast %add3A_294 : i32 to index
      %get3A_319 = arith.constant 32 : index
      %get3A_320 = tpu.vector_load %arg10[%get3A_318, %get3A_319] {strides = array<i32>} : memref<128x64xf32, #tpu.memory_space<vmem>>, vector<1x16xf32>,
      %get3A_321 = vector.shape_cast %get3A_320 : vector<1x16xf32> to vector<16xf32>
      %mul3A_322 = arith.mulf %get3A_317, %get3A_321 : vector<16xf32>
      %add3A_323 = arith.addf %add3A_313, %mul3A_322 : vector<16xf32>
      %get3A_324 = arith.index_cast %add3A_294 : i32 to index
      %get3A_325 = arith.constant 48 : index
      %get3A_326 = tpu.vector_load %arg9[%get3A_324, %get3A_325] {strides = array<i32>} : memref<128x64xf32, #tpu.memory_space<vmem>>, vector<1x16xf32>,
      %get3A_327 = vector.shape_cast %get3A_326 : vector<1x16xf32> to vector<16xf32>
      %get3A_328 = arith.index_cast %add3A_294 : i32 to index
      %get3A_329 = arith.constant 48 : index
      %get3A_330 = tpu.vector_load %arg10[%get3A_328, %get3A_329] {strides = array<i32>} : memref<128x64xf32, #tpu.memory_space<vmem>>, vector<1x16xf32>,
      %get3A_331 = vector.shape_cast %get3A_330 : vector<1x16xf32> to vector<16xf32>
      %mul3A_332 = arith.mulf %get3A_327, %get3A_331 : vector<16xf32>
      %add3A_333 = arith.addf %add3A_323, %mul3A_332 : vector<16xf32>
      %mul3A_334 = arith.constant 16 : i32
      %mul3A_335 = arith.muli %scan3A_69, %mul3A_334 : i32
      %add3A_336 = arith.constant 6 : i32
      %add3A_337 = arith.addi %mul3A_335, %add3A_336 : i32
      %get3A_338 = arith.index_cast %add3A_337 : i32 to index
      %get3A_339 = arith.constant 0 : index
      %get3A_340 = tpu.vector_load %arg9[%get3A_338, %get3A_339] {strides = array<i32>} : memref<128x64xf32, #tpu.memory_space<vmem>>, vector<1x16xf32>,
      %get3A_341 = vector.shape_cast %get3A_340 : vector<1x16xf32> to vector<16xf32>
      %get3A_342 = arith.index_cast %add3A_337 : i32 to index
      %get3A_343 = arith.constant 0 : index
      %get3A_344 = tpu.vector_load %arg10[%get3A_342, %get3A_343] {strides = array<i32>} : memref<128x64xf32, #tpu.memory_space<vmem>>, vector<1x16xf32>,
      %get3A_345 = vector.shape_cast %get3A_344 : vector<1x16xf32> to vector<16xf32>
      %mul3A_346 = arith.mulf %get3A_341, %get3A_345 : vector<16xf32>
      %get3A_347 = arith.index_cast %add3A_337 : i32 to index
      %get3A_348 = arith.constant 16 : index
      %get3A_349 = tpu.vector_load %arg9[%get3A_347, %get3A_348] {strides = array<i32>} : memref<128x64xf32, #tpu.memory_space<vmem>>, vector<1x16xf32>,
      %get3A_350 = vector.shape_cast %get3A_349 : vector<1x16xf32> to vector<16xf32>
      %get3A_351 = arith.index_cast %add3A_337 : i32 to index
      %get3A_352 = arith.constant 16 : index
      %get3A_353 = tpu.vector_load %arg10[%get3A_351, %get3A_352] {strides = array<i32>} : memref<128x64xf32, #tpu.memory_space<vmem>>, vector<1x16xf32>,
      %get3A_354 = vector.shape_cast %get3A_353 : vector<1x16xf32> to vector<16xf32>
      %mul3A_355 = arith.mulf %get3A_350, %get3A_354 : vector<16xf32>
      %add3A_356 = arith.addf %mul3A_346, %mul3A_355 : vector<16xf32>
      %get3A_357 = arith.index_cast %add3A_337 : i32 to index
      %get3A_358 = arith.constant 32 : index
      %get3A_359 = tpu.vector_load %arg9[%get3A_357, %get3A_358] {strides = array<i32>} : memref<128x64xf32, #tpu.memory_space<vmem>>, vector<1x16xf32>,
      %get3A_360 = vector.shape_cast %get3A_359 : vector<1x16xf32> to vector<16xf32>
      %get3A_361 = arith.index_cast %add3A_337 : i32 to index
      %get3A_362 = arith.constant 32 : index
      %get3A_363 = tpu.vector_load %arg10[%get3A_361, %get3A_362] {strides = array<i32>} : memref<128x64xf32, #tpu.memory_space<vmem>>, vector<1x16xf32>,
      %get3A_364 = vector.shape_cast %get3A_363 : vector<1x16xf32> to vector<16xf32>
      %mul3A_365 = arith.mulf %get3A_360, %get3A_364 : vector<16xf32>
      %add3A_366 = arith.addf %add3A_356, %mul3A_365 : vector<16xf32>
      %get3A_367 = arith.index_cast %add3A_337 : i32 to index
      %get3A_368 = arith.constant 48 : index
      %get3A_369 = tpu.vector_load %arg9[%get3A_367, %get3A_368] {strides = array<i32>} : memref<128x64xf32, #tpu.memory_space<vmem>>, vector<1x16xf32>,
      %get3A_370 = vector.shape_cast %get3A_369 : vector<1x16xf32> to vector<16xf32>
      %get3A_371 = arith.index_cast %add3A_337 : i32 to index
      %get3A_372 = arith.constant 48 : index
      %get3A_373 = tpu.vector_load %arg10[%get3A_371, %get3A_372] {strides = array<i32>} : memref<128x64xf32, #tpu.memory_space<vmem>>, vector<1x16xf32>,
      %get3A_374 = vector.shape_cast %get3A_373 : vector<1x16xf32> to vector<16xf32>
      %mul3A_375 = arith.mulf %get3A_370, %get3A_374 : vector<16xf32>
      %add3A_376 = arith.addf %add3A_366, %mul3A_375 : vector<16xf32>
      %mul3A_377 = arith.constant 16 : i32
      %mul3A_378 = arith.muli %scan3A_69, %mul3A_377 : i32
      %add3A_379 = arith.constant 7 : i32
      %add3A_380 = arith.addi %mul3A_378, %add3A_379 : i32
      %get3A_381 = arith.index_cast %add3A_380 : i32 to index
      %get3A_382 = arith.constant 0 : index
      %get3A_383 = tpu.vector_load %arg9[%get3A_381, %get3A_382] {strides = array<i32>} : memref<128x64xf32, #tpu.memory_space<vmem>>, vector<1x16xf32>,
      %get3A_384 = vector.shape_cast %get3A_383 : vector<1x16xf32> to vector<16xf32>
      %get3A_385 = arith.index_cast %add3A_380 : i32 to index
      %get3A_386 = arith.constant 0 : index
      %get3A_387 = tpu.vector_load %arg10[%get3A_385, %get3A_386] {strides = array<i32>} : memref<128x64xf32, #tpu.memory_space<vmem>>, vector<1x16xf32>,
      %get3A_388 = vector.shape_cast %get3A_387 : vector<1x16xf32> to vector<16xf32>
      %mul3A_389 = arith.mulf %get3A_384, %get3A_388 : vector<16xf32>
      %get3A_390 = arith.index_cast %add3A_380 : i32 to index
      %get3A_391 = arith.constant 16 : index
      %get3A_392 = tpu.vector_load %arg9[%get3A_390, %get3A_391] {strides = array<i32>} : memref<128x64xf32, #tpu.memory_space<vmem>>, vector<1x16xf32>,
      %get3A_393 = vector.shape_cast %get3A_392 : vector<1x16xf32> to vector<16xf32>
      %get3A_394 = arith.index_cast %add3A_380 : i32 to index
      %get3A_395 = arith.constant 16 : index
      %get3A_396 = tpu.vector_load %arg10[%get3A_394, %get3A_395] {strides = array<i32>} : memref<128x64xf32, #tpu.memory_space<vmem>>, vector<1x16xf32>,
      %get3A_397 = vector.shape_cast %get3A_396 : vector<1x16xf32> to vector<16xf32>
      %mul3A_398 = arith.mulf %get3A_393, %get3A_397 : vector<16xf32>
      %add3A_399 = arith.addf %mul3A_389, %mul3A_398 : vector<16xf32>
      %get3A_400 = arith.index_cast %add3A_380 : i32 to index
      %get3A_401 = arith.constant 32 : index
      %get3A_402 = tpu.vector_load %arg9[%get3A_400, %get3A_401] {strides = array<i32>} : memref<128x64xf32, #tpu.memory_space<vmem>>, vector<1x16xf32>,
      %get3A_403 = vector.shape_cast %get3A_402 : vector<1x16xf32> to vector<16xf32>
      %get3A_404 = arith.index_cast %add3A_380 : i32 to index
      %get3A_405 = arith.constant 32 : index
      %get3A_406 = tpu.vector_load %arg10[%get3A_404, %get3A_405] {strides = array<i32>} : memref<128x64xf32, #tpu.memory_space<vmem>>, vector<1x16xf32>,
      %get3A_407 = vector.shape_cast %get3A_406 : vector<1x16xf32> to vector<16xf32>
      %mul3A_408 = arith.mulf %get3A_403, %get3A_407 : vector<16xf32>
      %add3A_409 = arith.addf %add3A_399, %mul3A_408 : vector<16xf32>
      %get3A_410 = arith.index_cast %add3A_380 : i32 to index
      %get3A_411 = arith.constant 48 : index
      %get3A_412 = tpu.vector_load %arg9[%get3A_410, %get3A_411] {strides = array<i32>} : memref<128x64xf32, #tpu.memory_space<vmem>>, vector<1x16xf32>,
      %get3A_413 = vector.shape_cast %get3A_412 : vector<1x16xf32> to vector<16xf32>
      %get3A_414 = arith.index_cast %add3A_380 : i32 to index
      %get3A_415 = arith.constant 48 : index
      %get3A_416 = tpu.vector_load %arg10[%get3A_414, %get3A_415] {strides = array<i32>} : memref<128x64xf32, #tpu.memory_space<vmem>>, vector<1x16xf32>,
      %get3A_417 = vector.shape_cast %get3A_416 : vector<1x16xf32> to vector<16xf32>
      %mul3A_418 = arith.mulf %get3A_413, %get3A_417 : vector<16xf32>
      %add3A_419 = arith.addf %add3A_409, %mul3A_418 : vector<16xf32>
      %mul3A_420 = arith.constant 16 : i32
      %mul3A_421 = arith.muli %scan3A_69, %mul3A_420 : i32
      %add3A_422 = arith.constant 8 : i32
      %add3A_423 = arith.addi %mul3A_421, %add3A_422 : i32
      %get3A_424 = arith.index_cast %add3A_423 : i32 to index
      %get3A_425 = arith.constant 0 : index
      %get3A_426 = tpu.vector_load %arg9[%get3A_424, %get3A_425] {strides = array<i32>} : memref<128x64xf32, #tpu.memory_space<vmem>>, vector<1x16xf32>,
      %get3A_427 = vector.shape_cast %get3A_426 : vector<1x16xf32> to vector<16xf32>
      %get3A_428 = arith.index_cast %add3A_423 : i32 to index
      %get3A_429 = arith.constant 0 : index
      %get3A_430 = tpu.vector_load %arg10[%get3A_428, %get3A_429] {strides = array<i32>} : memref<128x64xf32, #tpu.memory_space<vmem>>, vector<1x16xf32>,
      %get3A_431 = vector.shape_cast %get3A_430 : vector<1x16xf32> to vector<16xf32>
      %mul3A_432 = arith.mulf %get3A_427, %get3A_431 : vector<16xf32>
      %get3A_433 = arith.index_cast %add3A_423 : i32 to index
      %get3A_434 = arith.constant 16 : index
      %get3A_435 = tpu.vector_load %arg9[%get3A_433, %get3A_434] {strides = array<i32>} : memref<128x64xf32, #tpu.memory_space<vmem>>, vector<1x16xf32>,
      %get3A_436 = vector.shape_cast %get3A_435 : vector<1x16xf32> to vector<16xf32>
      %get3A_437 = arith.index_cast %add3A_423 : i32 to index
      %get3A_438 = arith.constant 16 : index
      %get3A_439 = tpu.vector_load %arg10[%get3A_437, %get3A_438] {strides = array<i32>} : memref<128x64xf32, #tpu.memory_space<vmem>>, vector<1x16xf32>,
      %get3A_440 = vector.shape_cast %get3A_439 : vector<1x16xf32> to vector<16xf32>
      %mul3A_441 = arith.mulf %get3A_436, %get3A_440 : vector<16xf32>
      %add3A_442 = arith.addf %mul3A_432, %mul3A_441 : vector<16xf32>
      %get3A_443 = arith.index_cast %add3A_423 : i32 to index
      %get3A_444 = arith.constant 32 : index
      %get3A_445 = tpu.vector_load %arg9[%get3A_443, %get3A_444] {strides = array<i32>} : memref<128x64xf32, #tpu.memory_space<vmem>>, vector<1x16xf32>,
      %get3A_446 = vector.shape_cast %get3A_445 : vector<1x16xf32> to vector<16xf32>
      %get3A_447 = arith.index_cast %add3A_423 : i32 to index
      %get3A_448 = arith.constant 32 : index
      %get3A_449 = tpu.vector_load %arg10[%get3A_447, %get3A_448] {strides = array<i32>} : memref<128x64xf32, #tpu.memory_space<vmem>>, vector<1x16xf32>,
      %get3A_450 = vector.shape_cast %get3A_449 : vector<1x16xf32> to vector<16xf32>
      %mul3A_451 = arith.mulf %get3A_446, %get3A_450 : vector<16xf32>
      %add3A_452 = arith.addf %add3A_442, %mul3A_451 : vector<16xf32>
      %get3A_453 = arith.index_cast %add3A_423 : i32 to index
      %get3A_454 = arith.constant 48 : index
      %get3A_455 = tpu.vector_load %arg9[%get3A_453, %get3A_454] {strides = array<i32>} : memref<128x64xf32, #tpu.memory_space<vmem>>, vector<1x16xf32>,
      %get3A_456 = vector.shape_cast %get3A_455 : vector<1x16xf32> to vector<16xf32>
      %get3A_457 = arith.index_cast %add3A_423 : i32 to index
      %get3A_458 = arith.constant 48 : index
      %get3A_459 = tpu.vector_load %arg10[%get3A_457, %get3A_458] {strides = array<i32>} : memref<128x64xf32, #tpu.memory_space<vmem>>, vector<1x16xf32>,
      %get3A_460 = vector.shape_cast %get3A_459 : vector<1x16xf32> to vector<16xf32>
      %mul3A_461 = arith.mulf %get3A_456, %get3A_460 : vector<16xf32>
      %add3A_462 = arith.addf %add3A_452, %mul3A_461 : vector<16xf32>
      %mul3A_463 = arith.constant 16 : i32
      %mul3A_464 = arith.muli %scan3A_69, %mul3A_463 : i32
      %add3A_465 = arith.constant 9 : i32
      %add3A_466 = arith.addi %mul3A_464, %add3A_465 : i32
      %get3A_467 = arith.index_cast %add3A_466 : i32 to index
      %get3A_468 = arith.constant 0 : index
      %get3A_469 = tpu.vector_load %arg9[%get3A_467, %get3A_468] {strides = array<i32>} : memref<128x64xf32, #tpu.memory_space<vmem>>, vector<1x16xf32>,
      %get3A_470 = vector.shape_cast %get3A_469 : vector<1x16xf32> to vector<16xf32>
      %get3A_471 = arith.index_cast %add3A_466 : i32 to index
      %get3A_472 = arith.constant 0 : index
      %get3A_473 = tpu.vector_load %arg10[%get3A_471, %get3A_472] {strides = array<i32>} : memref<128x64xf32, #tpu.memory_space<vmem>>, vector<1x16xf32>,
      %get3A_474 = vector.shape_cast %get3A_473 : vector<1x16xf32> to vector<16xf32>
      %mul3A_475 = arith.mulf %get3A_470, %get3A_474 : vector<16xf32>
      %get3A_476 = arith.index_cast %add3A_466 : i32 to index
      %get3A_477 = arith.constant 16 : index
      %get3A_478 = tpu.vector_load %arg9[%get3A_476, %get3A_477] {strides = array<i32>} : memref<128x64xf32, #tpu.memory_space<vmem>>, vector<1x16xf32>,
      %get3A_479 = vector.shape_cast %get3A_478 : vector<1x16xf32> to vector<16xf32>
      %get3A_480 = arith.index_cast %add3A_466 : i32 to index
      %get3A_481 = arith.constant 16 : index
      %get3A_482 = tpu.vector_load %arg10[%get3A_480, %get3A_481] {strides = array<i32>} : memref<128x64xf32, #tpu.memory_space<vmem>>, vector<1x16xf32>,
      %get3A_483 = vector.shape_cast %get3A_482 : vector<1x16xf32> to vector<16xf32>
      %mul3A_484 = arith.mulf %get3A_479, %get3A_483 : vector<16xf32>
      %add3A_485 = arith.addf %mul3A_475, %mul3A_484 : vector<16xf32>
      %get3A_486 = arith.index_cast %add3A_466 : i32 to index
      %get3A_487 = arith.constant 32 : index
      %get3A_488 = tpu.vector_load %arg9[%get3A_486, %get3A_487] {strides = array<i32>} : memref<128x64xf32, #tpu.memory_space<vmem>>, vector<1x16xf32>,
      %get3A_489 = vector.shape_cast %get3A_488 : vector<1x16xf32> to vector<16xf32>
      %get3A_490 = arith.index_cast %add3A_466 : i32 to index
      %get3A_491 = arith.constant 32 : index
      %get3A_492 = tpu.vector_load %arg10[%get3A_490, %get3A_491] {strides = array<i32>} : memref<128x64xf32, #tpu.memory_space<vmem>>, vector<1x16xf32>,
      %get3A_493 = vector.shape_cast %get3A_492 : vector<1x16xf32> to vector<16xf32>
      %mul3A_494 = arith.mulf %get3A_489, %get3A_493 : vector<16xf32>
      %add3A_495 = arith.addf %add3A_485, %mul3A_494 : vector<16xf32>
      %get3A_496 = arith.index_cast %add3A_466 : i32 to index
      %get3A_497 = arith.constant 48 : index
      %get3A_498 = tpu.vector_load %arg9[%get3A_496, %get3A_497] {strides = array<i32>} : memref<128x64xf32, #tpu.memory_space<vmem>>, vector<1x16xf32>,
      %get3A_499 = vector.shape_cast %get3A_498 : vector<1x16xf32> to vector<16xf32>
      %get3A_500 = arith.index_cast %add3A_466 : i32 to index
      %get3A_501 = arith.constant 48 : index
      %get3A_502 = tpu.vector_load %arg10[%get3A_500, %get3A_501] {strides = array<i32>} : memref<128x64xf32, #tpu.memory_space<vmem>>, vector<1x16xf32>,
      %get3A_503 = vector.shape_cast %get3A_502 : vector<1x16xf32> to vector<16xf32>
      %mul3A_504 = arith.mulf %get3A_499, %get3A_503 : vector<16xf32>
      %add3A_505 = arith.addf %add3A_495, %mul3A_504 : vector<16xf32>
      %mul3A_506 = arith.constant 16 : i32
      %mul3A_507 = arith.muli %scan3A_69, %mul3A_506 : i32
      %add3A_508 = arith.constant 10 : i32
      %add3A_509 = arith.addi %mul3A_507, %add3A_508 : i32
      %get3A_510 = arith.index_cast %add3A_509 : i32 to index
      %get3A_511 = arith.constant 0 : index
      %get3A_512 = tpu.vector_load %arg9[%get3A_510, %get3A_511] {strides = array<i32>} : memref<128x64xf32, #tpu.memory_space<vmem>>, vector<1x16xf32>,
      %get3A_513 = vector.shape_cast %get3A_512 : vector<1x16xf32> to vector<16xf32>
      %get3A_514 = arith.index_cast %add3A_509 : i32 to index
      %get3A_515 = arith.constant 0 : index
      %get3A_516 = tpu.vector_load %arg10[%get3A_514, %get3A_515] {strides = array<i32>} : memref<128x64xf32, #tpu.memory_space<vmem>>, vector<1x16xf32>,
      %get3A_517 = vector.shape_cast %get3A_516 : vector<1x16xf32> to vector<16xf32>
      %mul3A_518 = arith.mulf %get3A_513, %get3A_517 : vector<16xf32>
      %get3A_519 = arith.index_cast %add3A_509 : i32 to index
      %get3A_520 = arith.constant 16 : index
      %get3A_521 = tpu.vector_load %arg9[%get3A_519, %get3A_520] {strides = array<i32>} : memref<128x64xf32, #tpu.memory_space<vmem>>, vector<1x16xf32>,
      %get3A_522 = vector.shape_cast %get3A_521 : vector<1x16xf32> to vector<16xf32>
      %get3A_523 = arith.index_cast %add3A_509 : i32 to index
      %get3A_524 = arith.constant 16 : index
      %get3A_525 = tpu.vector_load %arg10[%get3A_523, %get3A_524] {strides = array<i32>} : memref<128x64xf32, #tpu.memory_space<vmem>>, vector<1x16xf32>,
      %get3A_526 = vector.shape_cast %get3A_525 : vector<1x16xf32> to vector<16xf32>
      %mul3A_527 = arith.mulf %get3A_522, %get3A_526 : vector<16xf32>
      %add3A_528 = arith.addf %mul3A_518, %mul3A_527 : vector<16xf32>
      %get3A_529 = arith.index_cast %add3A_509 : i32 to index
      %get3A_530 = arith.constant 32 : index
      %get3A_531 = tpu.vector_load %arg9[%get3A_529, %get3A_530] {strides = array<i32>} : memref<128x64xf32, #tpu.memory_space<vmem>>, vector<1x16xf32>,
      %get3A_532 = vector.shape_cast %get3A_531 : vector<1x16xf32> to vector<16xf32>
      %get3A_533 = arith.index_cast %add3A_509 : i32 to index
      %get3A_534 = arith.constant 32 : index
      %get3A_535 = tpu.vector_load %arg10[%get3A_533, %get3A_534] {strides = array<i32>} : memref<128x64xf32, #tpu.memory_space<vmem>>, vector<1x16xf32>,
      %get3A_536 = vector.shape_cast %get3A_535 : vector<1x16xf32> to vector<16xf32>
      %mul3A_537 = arith.mulf %get3A_532, %get3A_536 : vector<16xf32>
      %add3A_538 = arith.addf %add3A_528, %mul3A_537 : vector<16xf32>
      %get3A_539 = arith.index_cast %add3A_509 : i32 to index
      %get3A_540 = arith.constant 48 : index
      %get3A_541 = tpu.vector_load %arg9[%get3A_539, %get3A_540] {strides = array<i32>} : memref<128x64xf32, #tpu.memory_space<vmem>>, vector<1x16xf32>,
      %get3A_542 = vector.shape_cast %get3A_541 : vector<1x16xf32> to vector<16xf32>
      %get3A_543 = arith.index_cast %add3A_509 : i32 to index
      %get3A_544 = arith.constant 48 : index
      %get3A_545 = tpu.vector_load %arg10[%get3A_543, %get3A_544] {strides = array<i32>} : memref<128x64xf32, #tpu.memory_space<vmem>>, vector<1x16xf32>,
      %get3A_546 = vector.shape_cast %get3A_545 : vector<1x16xf32> to vector<16xf32>
      %mul3A_547 = arith.mulf %get3A_542, %get3A_546 : vector<16xf32>
      %add3A_548 = arith.addf %add3A_538, %mul3A_547 : vector<16xf32>
      %mul3A_549 = arith.constant 16 : i32
      %mul3A_550 = arith.muli %scan3A_69, %mul3A_549 : i32
      %add3A_551 = arith.constant 11 : i32
      %add3A_552 = arith.addi %mul3A_550, %add3A_551 : i32
      %get3A_553 = arith.index_cast %add3A_552 : i32 to index
      %get3A_554 = arith.constant 0 : index
      %get3A_555 = tpu.vector_load %arg9[%get3A_553, %get3A_554] {strides = array<i32>} : memref<128x64xf32, #tpu.memory_space<vmem>>, vector<1x16xf32>,
      %get3A_556 = vector.shape_cast %get3A_555 : vector<1x16xf32> to vector<16xf32>
      %get3A_557 = arith.index_cast %add3A_552 : i32 to index
      %get3A_558 = arith.constant 0 : index
      %get3A_559 = tpu.vector_load %arg10[%get3A_557, %get3A_558] {strides = array<i32>} : memref<128x64xf32, #tpu.memory_space<vmem>>, vector<1x16xf32>,
      %get3A_560 = vector.shape_cast %get3A_559 : vector<1x16xf32> to vector<16xf32>
      %mul3A_561 = arith.mulf %get3A_556, %get3A_560 : vector<16xf32>
      %get3A_562 = arith.index_cast %add3A_552 : i32 to index
      %get3A_563 = arith.constant 16 : index
      %get3A_564 = tpu.vector_load %arg9[%get3A_562, %get3A_563] {strides = array<i32>} : memref<128x64xf32, #tpu.memory_space<vmem>>, vector<1x16xf32>,
      %get3A_565 = vector.shape_cast %get3A_564 : vector<1x16xf32> to vector<16xf32>
      %get3A_566 = arith.index_cast %add3A_552 : i32 to index
      %get3A_567 = arith.constant 16 : index
      %get3A_568 = tpu.vector_load %arg10[%get3A_566, %get3A_567] {strides = array<i32>} : memref<128x64xf32, #tpu.memory_space<vmem>>, vector<1x16xf32>,
      %get3A_569 = vector.shape_cast %get3A_568 : vector<1x16xf32> to vector<16xf32>
      %mul3A_570 = arith.mulf %get3A_565, %get3A_569 : vector<16xf32>
      %add3A_571 = arith.addf %mul3A_561, %mul3A_570 : vector<16xf32>
      %get3A_572 = arith.index_cast %add3A_552 : i32 to index
      %get3A_573 = arith.constant 32 : index
      %get3A_574 = tpu.vector_load %arg9[%get3A_572, %get3A_573] {strides = array<i32>} : memref<128x64xf32, #tpu.memory_space<vmem>>, vector<1x16xf32>,
      %get3A_575 = vector.shape_cast %get3A_574 : vector<1x16xf32> to vector<16xf32>
      %get3A_576 = arith.index_cast %add3A_552 : i32 to index
      %get3A_577 = arith.constant 32 : index
      %get3A_578 = tpu.vector_load %arg10[%get3A_576, %get3A_577] {strides = array<i32>} : memref<128x64xf32, #tpu.memory_space<vmem>>, vector<1x16xf32>,
      %get3A_579 = vector.shape_cast %get3A_578 : vector<1x16xf32> to vector<16xf32>
      %mul3A_580 = arith.mulf %get3A_575, %get3A_579 : vector<16xf32>
      %add3A_581 = arith.addf %add3A_571, %mul3A_580 : vector<16xf32>
      %get3A_582 = arith.index_cast %add3A_552 : i32 to index
      %get3A_583 = arith.constant 48 : index
      %get3A_584 = tpu.vector_load %arg9[%get3A_582, %get3A_583] {strides = array<i32>} : memref<128x64xf32, #tpu.memory_space<vmem>>, vector<1x16xf32>,
      %get3A_585 = vector.shape_cast %get3A_584 : vector<1x16xf32> to vector<16xf32>
      %get3A_586 = arith.index_cast %add3A_552 : i32 to index
      %get3A_587 = arith.constant 48 : index
      %get3A_588 = tpu.vector_load %arg10[%get3A_586, %get3A_587] {strides = array<i32>} : memref<128x64xf32, #tpu.memory_space<vmem>>, vector<1x16xf32>,
      %get3A_589 = vector.shape_cast %get3A_588 : vector<1x16xf32> to vector<16xf32>
      %mul3A_590 = arith.mulf %get3A_585, %get3A_589 : vector<16xf32>
      %add3A_591 = arith.addf %add3A_581, %mul3A_590 : vector<16xf32>
      %mul3A_592 = arith.constant 16 : i32
      %mul3A_593 = arith.muli %scan3A_69, %mul3A_592 : i32
      %add3A_594 = arith.constant 12 : i32
      %add3A_595 = arith.addi %mul3A_593, %add3A_594 : i32
      %get3A_596 = arith.index_cast %add3A_595 : i32 to index
      %get3A_597 = arith.constant 0 : index
      %get3A_598 = tpu.vector_load %arg9[%get3A_596, %get3A_597] {strides = array<i32>} : memref<128x64xf32, #tpu.memory_space<vmem>>, vector<1x16xf32>,
      %get3A_599 = vector.shape_cast %get3A_598 : vector<1x16xf32> to vector<16xf32>
      %get3A_600 = arith.index_cast %add3A_595 : i32 to index
      %get3A_601 = arith.constant 0 : index
      %get3A_602 = tpu.vector_load %arg10[%get3A_600, %get3A_601] {strides = array<i32>} : memref<128x64xf32, #tpu.memory_space<vmem>>, vector<1x16xf32>,
      %get3A_603 = vector.shape_cast %get3A_602 : vector<1x16xf32> to vector<16xf32>
      %mul3A_604 = arith.mulf %get3A_599, %get3A_603 : vector<16xf32>
      %get3A_605 = arith.index_cast %add3A_595 : i32 to index
      %get3A_606 = arith.constant 16 : index
      %get3A_607 = tpu.vector_load %arg9[%get3A_605, %get3A_606] {strides = array<i32>} : memref<128x64xf32, #tpu.memory_space<vmem>>, vector<1x16xf32>,
      %get3A_608 = vector.shape_cast %get3A_607 : vector<1x16xf32> to vector<16xf32>
      %get3A_609 = arith.index_cast %add3A_595 : i32 to index
      %get3A_610 = arith.constant 16 : index
      %get3A_611 = tpu.vector_load %arg10[%get3A_609, %get3A_610] {strides = array<i32>} : memref<128x64xf32, #tpu.memory_space<vmem>>, vector<1x16xf32>,
      %get3A_612 = vector.shape_cast %get3A_611 : vector<1x16xf32> to vector<16xf32>
      %mul3A_613 = arith.mulf %get3A_608, %get3A_612 : vector<16xf32>
      %add3A_614 = arith.addf %mul3A_604, %mul3A_613 : vector<16xf32>
      %get3A_615 = arith.index_cast %add3A_595 : i32 to index
      %get3A_616 = arith.constant 32 : index
      %get3A_617 = tpu.vector_load %arg9[%get3A_615, %get3A_616] {strides = array<i32>} : memref<128x64xf32, #tpu.memory_space<vmem>>, vector<1x16xf32>,
      %get3A_618 = vector.shape_cast %get3A_617 : vector<1x16xf32> to vector<16xf32>
      %get3A_619 = arith.index_cast %add3A_595 : i32 to index
      %get3A_620 = arith.constant 32 : index
      %get3A_621 = tpu.vector_load %arg10[%get3A_619, %get3A_620] {strides = array<i32>} : memref<128x64xf32, #tpu.memory_space<vmem>>, vector<1x16xf32>,
      %get3A_622 = vector.shape_cast %get3A_621 : vector<1x16xf32> to vector<16xf32>
      %mul3A_623 = arith.mulf %get3A_618, %get3A_622 : vector<16xf32>
      %add3A_624 = arith.addf %add3A_614, %mul3A_623 : vector<16xf32>
      %get3A_625 = arith.index_cast %add3A_595 : i32 to index
      %get3A_626 = arith.constant 48 : index
      %get3A_627 = tpu.vector_load %arg9[%get3A_625, %get3A_626] {strides = array<i32>} : memref<128x64xf32, #tpu.memory_space<vmem>>, vector<1x16xf32>,
      %get3A_628 = vector.shape_cast %get3A_627 : vector<1x16xf32> to vector<16xf32>
      %get3A_629 = arith.index_cast %add3A_595 : i32 to index
      %get3A_630 = arith.constant 48 : index
      %get3A_631 = tpu.vector_load %arg10[%get3A_629, %get3A_630] {strides = array<i32>} : memref<128x64xf32, #tpu.memory_space<vmem>>, vector<1x16xf32>,
      %get3A_632 = vector.shape_cast %get3A_631 : vector<1x16xf32> to vector<16xf32>
      %mul3A_633 = arith.mulf %get3A_628, %get3A_632 : vector<16xf32>
      %add3A_634 = arith.addf %add3A_624, %mul3A_633 : vector<16xf32>
      %mul3A_635 = arith.constant 16 : i32
      %mul3A_636 = arith.muli %scan3A_69, %mul3A_635 : i32
      %add3A_637 = arith.constant 13 : i32
      %add3A_638 = arith.addi %mul3A_636, %add3A_637 : i32
      %get3A_639 = arith.index_cast %add3A_638 : i32 to index
      %get3A_640 = arith.constant 0 : index
      %get3A_641 = tpu.vector_load %arg9[%get3A_639, %get3A_640] {strides = array<i32>} : memref<128x64xf32, #tpu.memory_space<vmem>>, vector<1x16xf32>,
      %get3A_642 = vector.shape_cast %get3A_641 : vector<1x16xf32> to vector<16xf32>
      %get3A_643 = arith.index_cast %add3A_638 : i32 to index
      %get3A_644 = arith.constant 0 : index
      %get3A_645 = tpu.vector_load %arg10[%get3A_643, %get3A_644] {strides = array<i32>} : memref<128x64xf32, #tpu.memory_space<vmem>>, vector<1x16xf32>,
      %get3A_646 = vector.shape_cast %get3A_645 : vector<1x16xf32> to vector<16xf32>
      %mul3A_647 = arith.mulf %get3A_642, %get3A_646 : vector<16xf32>
      %get3A_648 = arith.index_cast %add3A_638 : i32 to index
      %get3A_649 = arith.constant 16 : index
      %get3A_650 = tpu.vector_load %arg9[%get3A_648, %get3A_649] {strides = array<i32>} : memref<128x64xf32, #tpu.memory_space<vmem>>, vector<1x16xf32>,
      %get3A_651 = vector.shape_cast %get3A_650 : vector<1x16xf32> to vector<16xf32>
      %get3A_652 = arith.index_cast %add3A_638 : i32 to index
      %get3A_653 = arith.constant 16 : index
      %get3A_654 = tpu.vector_load %arg10[%get3A_652, %get3A_653] {strides = array<i32>} : memref<128x64xf32, #tpu.memory_space<vmem>>, vector<1x16xf32>,
      %get3A_655 = vector.shape_cast %get3A_654 : vector<1x16xf32> to vector<16xf32>
      %mul3A_656 = arith.mulf %get3A_651, %get3A_655 : vector<16xf32>
      %add3A_657 = arith.addf %mul3A_647, %mul3A_656 : vector<16xf32>
      %get3A_658 = arith.index_cast %add3A_638 : i32 to index
      %get3A_659 = arith.constant 32 : index
      %get3A_660 = tpu.vector_load %arg9[%get3A_658, %get3A_659] {strides = array<i32>} : memref<128x64xf32, #tpu.memory_space<vmem>>, vector<1x16xf32>,
      %get3A_661 = vector.shape_cast %get3A_660 : vector<1x16xf32> to vector<16xf32>
      %get3A_662 = arith.index_cast %add3A_638 : i32 to index
      %get3A_663 = arith.constant 32 : index
      %get3A_664 = tpu.vector_load %arg10[%get3A_662, %get3A_663] {strides = array<i32>} : memref<128x64xf32, #tpu.memory_space<vmem>>, vector<1x16xf32>,
      %get3A_665 = vector.shape_cast %get3A_664 : vector<1x16xf32> to vector<16xf32>
      %mul3A_666 = arith.mulf %get3A_661, %get3A_665 : vector<16xf32>
      %add3A_667 = arith.addf %add3A_657, %mul3A_666 : vector<16xf32>
      %get3A_668 = arith.index_cast %add3A_638 : i32 to index
      %get3A_669 = arith.constant 48 : index
      %get3A_670 = tpu.vector_load %arg9[%get3A_668, %get3A_669] {strides = array<i32>} : memref<128x64xf32, #tpu.memory_space<vmem>>, vector<1x16xf32>,
      %get3A_671 = vector.shape_cast %get3A_670 : vector<1x16xf32> to vector<16xf32>
      %get3A_672 = arith.index_cast %add3A_638 : i32 to index
      %get3A_673 = arith.constant 48 : index
      %get3A_674 = tpu.vector_load %arg10[%get3A_672, %get3A_673] {strides = array<i32>} : memref<128x64xf32, #tpu.memory_space<vmem>>, vector<1x16xf32>,
      %get3A_675 = vector.shape_cast %get3A_674 : vector<1x16xf32> to vector<16xf32>
      %mul3A_676 = arith.mulf %get3A_671, %get3A_675 : vector<16xf32>
      %add3A_677 = arith.addf %add3A_667, %mul3A_676 : vector<16xf32>
      %mul3A_678 = arith.constant 16 : i32
      %mul3A_679 = arith.muli %scan3A_69, %mul3A_678 : i32
      %add3A_680 = arith.constant 14 : i32
      %add3A_681 = arith.addi %mul3A_679, %add3A_680 : i32
      %get3A_682 = arith.index_cast %add3A_681 : i32 to index
      %get3A_683 = arith.constant 0 : index
      %get3A_684 = tpu.vector_load %arg9[%get3A_682, %get3A_683] {strides = array<i32>} : memref<128x64xf32, #tpu.memory_space<vmem>>, vector<1x16xf32>,
      %get3A_685 = vector.shape_cast %get3A_684 : vector<1x16xf32> to vector<16xf32>
      %get3A_686 = arith.index_cast %add3A_681 : i32 to index
      %get3A_687 = arith.constant 0 : index
      %get3A_688 = tpu.vector_load %arg10[%get3A_686, %get3A_687] {strides = array<i32>} : memref<128x64xf32, #tpu.memory_space<vmem>>, vector<1x16xf32>,
      %get3A_689 = vector.shape_cast %get3A_688 : vector<1x16xf32> to vector<16xf32>
      %mul3A_690 = arith.mulf %get3A_685, %get3A_689 : vector<16xf32>
      %get3A_691 = arith.index_cast %add3A_681 : i32 to index
      %get3A_692 = arith.constant 16 : index
      %get3A_693 = tpu.vector_load %arg9[%get3A_691, %get3A_692] {strides = array<i32>} : memref<128x64xf32, #tpu.memory_space<vmem>>, vector<1x16xf32>,
      %get3A_694 = vector.shape_cast %get3A_693 : vector<1x16xf32> to vector<16xf32>
      %get3A_695 = arith.index_cast %add3A_681 : i32 to index
      %get3A_696 = arith.constant 16 : index
      %get3A_697 = tpu.vector_load %arg10[%get3A_695, %get3A_696] {strides = array<i32>} : memref<128x64xf32, #tpu.memory_space<vmem>>, vector<1x16xf32>,
      %get3A_698 = vector.shape_cast %get3A_697 : vector<1x16xf32> to vector<16xf32>
      %mul3A_699 = arith.mulf %get3A_694, %get3A_698 : vector<16xf32>
      %add3A_700 = arith.addf %mul3A_690, %mul3A_699 : vector<16xf32>
      %get3A_701 = arith.index_cast %add3A_681 : i32 to index
      %get3A_702 = arith.constant 32 : index
      %get3A_703 = tpu.vector_load %arg9[%get3A_701, %get3A_702] {strides = array<i32>} : memref<128x64xf32, #tpu.memory_space<vmem>>, vector<1x16xf32>,
      %get3A_704 = vector.shape_cast %get3A_703 : vector<1x16xf32> to vector<16xf32>
      %get3A_705 = arith.index_cast %add3A_681 : i32 to index
      %get3A_706 = arith.constant 32 : index
      %get3A_707 = tpu.vector_load %arg10[%get3A_705, %get3A_706] {strides = array<i32>} : memref<128x64xf32, #tpu.memory_space<vmem>>, vector<1x16xf32>,
      %get3A_708 = vector.shape_cast %get3A_707 : vector<1x16xf32> to vector<16xf32>
      %mul3A_709 = arith.mulf %get3A_704, %get3A_708 : vector<16xf32>
      %add3A_710 = arith.addf %add3A_700, %mul3A_709 : vector<16xf32>
      %get3A_711 = arith.index_cast %add3A_681 : i32 to index
      %get3A_712 = arith.constant 48 : index
      %get3A_713 = tpu.vector_load %arg9[%get3A_711, %get3A_712] {strides = array<i32>} : memref<128x64xf32, #tpu.memory_space<vmem>>, vector<1x16xf32>,
      %get3A_714 = vector.shape_cast %get3A_713 : vector<1x16xf32> to vector<16xf32>
      %get3A_715 = arith.index_cast %add3A_681 : i32 to index
      %get3A_716 = arith.constant 48 : index
      %get3A_717 = tpu.vector_load %arg10[%get3A_715, %get3A_716] {strides = array<i32>} : memref<128x64xf32, #tpu.memory_space<vmem>>, vector<1x16xf32>,
      %get3A_718 = vector.shape_cast %get3A_717 : vector<1x16xf32> to vector<16xf32>
      %mul3A_719 = arith.mulf %get3A_714, %get3A_718 : vector<16xf32>
      %add3A_720 = arith.addf %add3A_710, %mul3A_719 : vector<16xf32>
      %mul3A_721 = arith.constant 16 : i32
      %mul3A_722 = arith.muli %scan3A_69, %mul3A_721 : i32
      %add3A_723 = arith.constant 15 : i32
      %add3A_724 = arith.addi %mul3A_722, %add3A_723 : i32
      %get3A_725 = arith.index_cast %add3A_724 : i32 to index
      %get3A_726 = arith.constant 0 : index
      %get3A_727 = tpu.vector_load %arg9[%get3A_725, %get3A_726] {strides = array<i32>} : memref<128x64xf32, #tpu.memory_space<vmem>>, vector<1x16xf32>,
      %get3A_728 = vector.shape_cast %get3A_727 : vector<1x16xf32> to vector<16xf32>
      %get3A_729 = arith.index_cast %add3A_724 : i32 to index
      %get3A_730 = arith.constant 0 : index
      %get3A_731 = tpu.vector_load %arg10[%get3A_729, %get3A_730] {strides = array<i32>} : memref<128x64xf32, #tpu.memory_space<vmem>>, vector<1x16xf32>,
      %get3A_732 = vector.shape_cast %get3A_731 : vector<1x16xf32> to vector<16xf32>
      %mul3A_733 = arith.mulf %get3A_728, %get3A_732 : vector<16xf32>
      %get3A_734 = arith.index_cast %add3A_724 : i32 to index
      %get3A_735 = arith.constant 16 : index
      %get3A_736 = tpu.vector_load %arg9[%get3A_734, %get3A_735] {strides = array<i32>} : memref<128x64xf32, #tpu.memory_space<vmem>>, vector<1x16xf32>,
      %get3A_737 = vector.shape_cast %get3A_736 : vector<1x16xf32> to vector<16xf32>
      %get3A_738 = arith.index_cast %add3A_724 : i32 to index
      %get3A_739 = arith.constant 16 : index
      %get3A_740 = tpu.vector_load %arg10[%get3A_738, %get3A_739] {strides = array<i32>} : memref<128x64xf32, #tpu.memory_space<vmem>>, vector<1x16xf32>,
      %get3A_741 = vector.shape_cast %get3A_740 : vector<1x16xf32> to vector<16xf32>
      %mul3A_742 = arith.mulf %get3A_737, %get3A_741 : vector<16xf32>
      %add3A_743 = arith.addf %mul3A_733, %mul3A_742 : vector<16xf32>
      %get3A_744 = arith.index_cast %add3A_724 : i32 to index
      %get3A_745 = arith.constant 32 : index
      %get3A_746 = tpu.vector_load %arg9[%get3A_744, %get3A_745] {strides = array<i32>} : memref<128x64xf32, #tpu.memory_space<vmem>>, vector<1x16xf32>,
      %get3A_747 = vector.shape_cast %get3A_746 : vector<1x16xf32> to vector<16xf32>
      %get3A_748 = arith.index_cast %add3A_724 : i32 to index
      %get3A_749 = arith.constant 32 : index
      %get3A_750 = tpu.vector_load %arg10[%get3A_748, %get3A_749] {strides = array<i32>} : memref<128x64xf32, #tpu.memory_space<vmem>>, vector<1x16xf32>,
      %get3A_751 = vector.shape_cast %get3A_750 : vector<1x16xf32> to vector<16xf32>
      %mul3A_752 = arith.mulf %get3A_747, %get3A_751 : vector<16xf32>
      %add3A_753 = arith.addf %add3A_743, %mul3A_752 : vector<16xf32>
      %get3A_754 = arith.index_cast %add3A_724 : i32 to index
      %get3A_755 = arith.constant 48 : index
      %get3A_756 = tpu.vector_load %arg9[%get3A_754, %get3A_755] {strides = array<i32>} : memref<128x64xf32, #tpu.memory_space<vmem>>, vector<1x16xf32>,
      %get3A_757 = vector.shape_cast %get3A_756 : vector<1x16xf32> to vector<16xf32>
      %get3A_758 = arith.index_cast %add3A_724 : i32 to index
      %get3A_759 = arith.constant 48 : index
      %get3A_760 = tpu.vector_load %arg10[%get3A_758, %get3A_759] {strides = array<i32>} : memref<128x64xf32, #tpu.memory_space<vmem>>, vector<1x16xf32>,
      %get3A_761 = vector.shape_cast %get3A_760 : vector<1x16xf32> to vector<16xf32>
      %mul3A_762 = arith.mulf %get3A_757, %get3A_761 : vector<16xf32>
      %add3A_763 = arith.addf %add3A_753, %mul3A_762 : vector<16xf32>
      %and3A_764 = arith.constant 8 : i32
      %and3A_765 = vector.broadcast %and3A_764 : i32 to vector<16xi32>
      %and3A_766 = arith.andi %iota3A, %and3A_765 : vector<16xi32>
      %eq3A_767 = arith.constant 0 : i32
      %eq3A_768 = vector.broadcast %eq3A_767 : i32 to vector<16xi32>
      %eq3A_769 = arith.cmpi eq, %and3A_766, %eq3A_768 : vector<16xi32>
      %xor3A = arith.constant 8 : i32
      %xor3A_770 = vector.broadcast %xor3A : i32 to vector<16xi32>
      %xor3A_771 = arith.xori %iota3A, %xor3A_770 : vector<16xi32>
      %broadcast_in_dim3A = vector.shape_cast %xor3A_771 : vector<16xi32> to vector<16x1xi32>
      %gather3A = vector.shape_cast %broadcast_in_dim3A : vector<16x1xi32> to vector<16xi32>
      %gather3A_772 = tpu.dynamic_gather %add3A_118[%gather3A] in [0] : vector<16xf32>, vector<16xi32> -> vector<16xf32>
      %add3A_773 = arith.addf %add3A_118, %gather3A_772 : vector<16xf32>
      %xor3A_774 = arith.constant 8 : i32
      %xor3A_775 = vector.broadcast %xor3A_774 : i32 to vector<16xi32>
      %xor3A_776 = arith.xori %iota3A, %xor3A_775 : vector<16xi32>
      %broadcast_in_dim3A_777 = vector.shape_cast %xor3A_776 : vector<16xi32> to vector<16x1xi32>
      %gather3A_778 = vector.shape_cast %broadcast_in_dim3A_777 : vector<16x1xi32> to vector<16xi32>
      %gather3A_779 = tpu.dynamic_gather %add3A_161[%gather3A_778] in [0] : vector<16xf32>, vector<16xi32> -> vector<16xf32>
      %add3A_780 = arith.addf %add3A_161, %gather3A_779 : vector<16xf32>
      %select_n3A = arith.select %eq3A_769, %add3A_773, %add3A_780 : vector<16xi1>, vector<16xf32>
      %and3A_781 = arith.constant 8 : i32
      %and3A_782 = vector.broadcast %and3A_781 : i32 to vector<16xi32>
      %and3A_783 = arith.andi %iota3A, %and3A_782 : vector<16xi32>
      %eq3A_784 = arith.constant 0 : i32
      %eq3A_785 = vector.broadcast %eq3A_784 : i32 to vector<16xi32>
      %eq3A_786 = arith.cmpi eq, %and3A_783, %eq3A_785 : vector<16xi32>
      %xor3A_787 = arith.constant 8 : i32
      %xor3A_788 = vector.broadcast %xor3A_787 : i32 to vector<16xi32>
      %xor3A_789 = arith.xori %iota3A, %xor3A_788 : vector<16xi32>
      %broadcast_in_dim3A_790 = vector.shape_cast %xor3A_789 : vector<16xi32> to vector<16x1xi32>
      %gather3A_791 = vector.shape_cast %broadcast_in_dim3A_790 : vector<16x1xi32> to vector<16xi32>
      %gather3A_792 = tpu.dynamic_gather %add3A_204[%gather3A_791] in [0] : vector<16xf32>, vector<16xi32> -> vector<16xf32>
      %add3A_793 = arith.addf %add3A_204, %gather3A_792 : vector<16xf32>
      %xor3A_794 = arith.constant 8 : i32
      %xor3A_795 = vector.broadcast %xor3A_794 : i32 to vector<16xi32>
      %xor3A_796 = arith.xori %iota3A, %xor3A_795 : vector<16xi32>
      %broadcast_in_dim3A_797 = vector.shape_cast %xor3A_796 : vector<16xi32> to vector<16x1xi32>
      %gather3A_798 = vector.shape_cast %broadcast_in_dim3A_797 : vector<16x1xi32> to vector<16xi32>
      %gather3A_799 = tpu.dynamic_gather %add3A_247[%gather3A_798] in [0] : vector<16xf32>, vector<16xi32> -> vector<16xf32>
      %add3A_800 = arith.addf %add3A_247, %gather3A_799 : vector<16xf32>
      %select_n3A_801 = arith.select %eq3A_786, %add3A_793, %add3A_800 : vector<16xi1>, vector<16xf32>
      %and3A_802 = arith.constant 8 : i32
      %and3A_803 = vector.broadcast %and3A_802 : i32 to vector<16xi32>
      %and3A_804 = arith.andi %iota3A, %and3A_803 : vector<16xi32>
      %eq3A_805 = arith.constant 0 : i32
      %eq3A_806 = vector.broadcast %eq3A_805 : i32 to vector<16xi32>
      %eq3A_807 = arith.cmpi eq, %and3A_804, %eq3A_806 : vector<16xi32>
      %xor3A_808 = arith.constant 8 : i32
      %xor3A_809 = vector.broadcast %xor3A_808 : i32 to vector<16xi32>
      %xor3A_810 = arith.xori %iota3A, %xor3A_809 : vector<16xi32>
      %broadcast_in_dim3A_811 = vector.shape_cast %xor3A_810 : vector<16xi32> to vector<16x1xi32>
      %gather3A_812 = vector.shape_cast %broadcast_in_dim3A_811 : vector<16x1xi32> to vector<16xi32>
      %gather3A_813 = tpu.dynamic_gather %add3A_290[%gather3A_812] in [0] : vector<16xf32>, vector<16xi32> -> vector<16xf32>
      %add3A_814 = arith.addf %add3A_290, %gather3A_813 : vector<16xf32>
      %xor3A_815 = arith.constant 8 : i32
      %xor3A_816 = vector.broadcast %xor3A_815 : i32 to vector<16xi32>
      %xor3A_817 = arith.xori %iota3A, %xor3A_816 : vector<16xi32>
      %broadcast_in_dim3A_818 = vector.shape_cast %xor3A_817 : vector<16xi32> to vector<16x1xi32>
      %gather3A_819 = vector.shape_cast %broadcast_in_dim3A_818 : vector<16x1xi32> to vector<16xi32>
      %gather3A_820 = tpu.dynamic_gather %add3A_333[%gather3A_819] in [0] : vector<16xf32>, vector<16xi32> -> vector<16xf32>
      %add3A_821 = arith.addf %add3A_333, %gather3A_820 : vector<16xf32>
      %select_n3A_822 = arith.select %eq3A_807, %add3A_814, %add3A_821 : vector<16xi1>, vector<16xf32>
      %and3A_823 = arith.constant 8 : i32
      %and3A_824 = vector.broadcast %and3A_823 : i32 to vector<16xi32>
      %and3A_825 = arith.andi %iota3A, %and3A_824 : vector<16xi32>
      %eq3A_826 = arith.constant 0 : i32
      %eq3A_827 = vector.broadcast %eq3A_826 : i32 to vector<16xi32>
      %eq3A_828 = arith.cmpi eq, %and3A_825, %eq3A_827 : vector<16xi32>
      %xor3A_829 = arith.constant 8 : i32
      %xor3A_830 = vector.broadcast %xor3A_829 : i32 to vector<16xi32>
      %xor3A_831 = arith.xori %iota3A, %xor3A_830 : vector<16xi32>
      %broadcast_in_dim3A_832 = vector.shape_cast %xor3A_831 : vector<16xi32> to vector<16x1xi32>
      %gather3A_833 = vector.shape_cast %broadcast_in_dim3A_832 : vector<16x1xi32> to vector<16xi32>
      %gather3A_834 = tpu.dynamic_gather %add3A_376[%gather3A_833] in [0] : vector<16xf32>, vector<16xi32> -> vector<16xf32>
      %add3A_835 = arith.addf %add3A_376, %gather3A_834 : vector<16xf32>
      %xor3A_836 = arith.constant 8 : i32
      %xor3A_837 = vector.broadcast %xor3A_836 : i32 to vector<16xi32>
      %xor3A_838 = arith.xori %iota3A, %xor3A_837 : vector<16xi32>
      %broadcast_in_dim3A_839 = vector.shape_cast %xor3A_838 : vector<16xi32> to vector<16x1xi32>
      %gather3A_840 = vector.shape_cast %broadcast_in_dim3A_839 : vector<16x1xi32> to vector<16xi32>
      %gather3A_841 = tpu.dynamic_gather %add3A_419[%gather3A_840] in [0] : vector<16xf32>, vector<16xi32> -> vector<16xf32>
      %add3A_842 = arith.addf %add3A_419, %gather3A_841 : vector<16xf32>
      %select_n3A_843 = arith.select %eq3A_828, %add3A_835, %add3A_842 : vector<16xi1>, vector<16xf32>
      %and3A_844 = arith.constant 8 : i32
      %and3A_845 = vector.broadcast %and3A_844 : i32 to vector<16xi32>
      %and3A_846 = arith.andi %iota3A, %and3A_845 : vector<16xi32>
      %eq3A_847 = arith.constant 0 : i32
      %eq3A_848 = vector.broadcast %eq3A_847 : i32 to vector<16xi32>
      %eq3A_849 = arith.cmpi eq, %and3A_846, %eq3A_848 : vector<16xi32>
      %xor3A_850 = arith.constant 8 : i32
      %xor3A_851 = vector.broadcast %xor3A_850 : i32 to vector<16xi32>
      %xor3A_852 = arith.xori %iota3A, %xor3A_851 : vector<16xi32>
      %broadcast_in_dim3A_853 = vector.shape_cast %xor3A_852 : vector<16xi32> to vector<16x1xi32>
      %gather3A_854 = vector.shape_cast %broadcast_in_dim3A_853 : vector<16x1xi32> to vector<16xi32>
      %gather3A_855 = tpu.dynamic_gather %add3A_462[%gather3A_854] in [0] : vector<16xf32>, vector<16xi32> -> vector<16xf32>
      %add3A_856 = arith.addf %add3A_462, %gather3A_855 : vector<16xf32>
      %xor3A_857 = arith.constant 8 : i32
      %xor3A_858 = vector.broadcast %xor3A_857 : i32 to vector<16xi32>
      %xor3A_859 = arith.xori %iota3A, %xor3A_858 : vector<16xi32>
      %broadcast_in_dim3A_860 = vector.shape_cast %xor3A_859 : vector<16xi32> to vector<16x1xi32>
      %gather3A_861 = vector.shape_cast %broadcast_in_dim3A_860 : vector<16x1xi32> to vector<16xi32>
      %gather3A_862 = tpu.dynamic_gather %add3A_505[%gather3A_861] in [0] : vector<16xf32>, vector<16xi32> -> vector<16xf32>
      %add3A_863 = arith.addf %add3A_505, %gather3A_862 : vector<16xf32>
      %select_n3A_864 = arith.select %eq3A_849, %add3A_856, %add3A_863 : vector<16xi1>, vector<16xf32>
      %and3A_865 = arith.constant 8 : i32
      %and3A_866 = vector.broadcast %and3A_865 : i32 to vector<16xi32>
      %and3A_867 = arith.andi %iota3A, %and3A_866 : vector<16xi32>
      %eq3A_868 = arith.constant 0 : i32
      %eq3A_869 = vector.broadcast %eq3A_868 : i32 to vector<16xi32>
      %eq3A_870 = arith.cmpi eq, %and3A_867, %eq3A_869 : vector<16xi32>
      %xor3A_871 = arith.constant 8 : i32
      %xor3A_872 = vector.broadcast %xor3A_871 : i32 to vector<16xi32>
      %xor3A_873 = arith.xori %iota3A, %xor3A_872 : vector<16xi32>
      %broadcast_in_dim3A_874 = vector.shape_cast %xor3A_873 : vector<16xi32> to vector<16x1xi32>
      %gather3A_875 = vector.shape_cast %broadcast_in_dim3A_874 : vector<16x1xi32> to vector<16xi32>
      %gather3A_876 = tpu.dynamic_gather %add3A_548[%gather3A_875] in [0] : vector<16xf32>, vector<16xi32> -> vector<16xf32>
      %add3A_877 = arith.addf %add3A_548, %gather3A_876 : vector<16xf32>
      %xor3A_878 = arith.constant 8 : i32
      %xor3A_879 = vector.broadcast %xor3A_878 : i32 to vector<16xi32>
      %xor3A_880 = arith.xori %iota3A, %xor3A_879 : vector<16xi32>
      %broadcast_in_dim3A_881 = vector.shape_cast %xor3A_880 : vector<16xi32> to vector<16x1xi32>
      %gather3A_882 = vector.shape_cast %broadcast_in_dim3A_881 : vector<16x1xi32> to vector<16xi32>
      %gather3A_883 = tpu.dynamic_gather %add3A_591[%gather3A_882] in [0] : vector<16xf32>, vector<16xi32> -> vector<16xf32>
      %add3A_884 = arith.addf %add3A_591, %gather3A_883 : vector<16xf32>
      %select_n3A_885 = arith.select %eq3A_870, %add3A_877, %add3A_884 : vector<16xi1>, vector<16xf32>
      %and3A_886 = arith.constant 8 : i32
      %and3A_887 = vector.broadcast %and3A_886 : i32 to vector<16xi32>
      %and3A_888 = arith.andi %iota3A, %and3A_887 : vector<16xi32>
      %eq3A_889 = arith.constant 0 : i32
      %eq3A_890 = vector.broadcast %eq3A_889 : i32 to vector<16xi32>
      %eq3A_891 = arith.cmpi eq, %and3A_888, %eq3A_890 : vector<16xi32>
      %xor3A_892 = arith.constant 8 : i32
      %xor3A_893 = vector.broadcast %xor3A_892 : i32 to vector<16xi32>
      %xor3A_894 = arith.xori %iota3A, %xor3A_893 : vector<16xi32>
      %broadcast_in_dim3A_895 = vector.shape_cast %xor3A_894 : vector<16xi32> to vector<16x1xi32>
      %gather3A_896 = vector.shape_cast %broadcast_in_dim3A_895 : vector<16x1xi32> to vector<16xi32>
      %gather3A_897 = tpu.dynamic_gather %add3A_634[%gather3A_896] in [0] : vector<16xf32>, vector<16xi32> -> vector<16xf32>
      %add3A_898 = arith.addf %add3A_634, %gather3A_897 : vector<16xf32>
      %xor3A_899 = arith.constant 8 : i32
      %xor3A_900 = vector.broadcast %xor3A_899 : i32 to vector<16xi32>
      %xor3A_901 = arith.xori %iota3A, %xor3A_900 : vector<16xi32>
      %broadcast_in_dim3A_902 = vector.shape_cast %xor3A_901 : vector<16xi32> to vector<16x1xi32>
      %gather3A_903 = vector.shape_cast %broadcast_in_dim3A_902 : vector<16x1xi32> to vector<16xi32>
      %gather3A_904 = tpu.dynamic_gather %add3A_677[%gather3A_903] in [0] : vector<16xf32>, vector<16xi32> -> vector<16xf32>
      %add3A_905 = arith.addf %add3A_677, %gather3A_904 : vector<16xf32>
      %select_n3A_906 = arith.select %eq3A_891, %add3A_898, %add3A_905 : vector<16xi1>, vector<16xf32>
      %and3A_907 = arith.constant 8 : i32
      %and3A_908 = vector.broadcast %and3A_907 : i32 to vector<16xi32>
      %and3A_909 = arith.andi %iota3A, %and3A_908 : vector<16xi32>
      %eq3A_910 = arith.constant 0 : i32
      %eq3A_911 = vector.broadcast %eq3A_910 : i32 to vector<16xi32>
      %eq3A_912 = arith.cmpi eq, %and3A_909, %eq3A_911 : vector<16xi32>
      %xor3A_913 = arith.constant 8 : i32
      %xor3A_914 = vector.broadcast %xor3A_913 : i32 to vector<16xi32>
      %xor3A_915 = arith.xori %iota3A, %xor3A_914 : vector<16xi32>
      %broadcast_in_dim3A_916 = vector.shape_cast %xor3A_915 : vector<16xi32> to vector<16x1xi32>
      %gather3A_917 = vector.shape_cast %broadcast_in_dim3A_916 : vector<16x1xi32> to vector<16xi32>
      %gather3A_918 = tpu.dynamic_gather %add3A_720[%gather3A_917] in [0] : vector<16xf32>, vector<16xi32> -> vector<16xf32>
      %add3A_919 = arith.addf %add3A_720, %gather3A_918 : vector<16xf32>
      %xor3A_920 = arith.constant 8 : i32
      %xor3A_921 = vector.broadcast %xor3A_920 : i32 to vector<16xi32>
      %xor3A_922 = arith.xori %iota3A, %xor3A_921 : vector<16xi32>
      %broadcast_in_dim3A_923 = vector.shape_cast %xor3A_922 : vector<16xi32> to vector<16x1xi32>
      %gather3A_924 = vector.shape_cast %broadcast_in_dim3A_923 : vector<16x1xi32> to vector<16xi32>
      %gather3A_925 = tpu.dynamic_gather %add3A_763[%gather3A_924] in [0] : vector<16xf32>, vector<16xi32> -> vector<16xf32>
      %add3A_926 = arith.addf %add3A_763, %gather3A_925 : vector<16xf32>
      %select_n3A_927 = arith.select %eq3A_912, %add3A_919, %add3A_926 : vector<16xi1>, vector<16xf32>
      %and3A_928 = arith.constant 4 : i32
      %and3A_929 = vector.broadcast %and3A_928 : i32 to vector<16xi32>
      %and3A_930 = arith.andi %iota3A, %and3A_929 : vector<16xi32>
      %eq3A_931 = arith.constant 0 : i32
      %eq3A_932 = vector.broadcast %eq3A_931 : i32 to vector<16xi32>
      %eq3A_933 = arith.cmpi eq, %and3A_930, %eq3A_932 : vector<16xi32>
      %xor3A_934 = arith.constant 4 : i32
      %xor3A_935 = vector.broadcast %xor3A_934 : i32 to vector<16xi32>
      %xor3A_936 = arith.xori %iota3A, %xor3A_935 : vector<16xi32>
      %broadcast_in_dim3A_937 = vector.shape_cast %xor3A_936 : vector<16xi32> to vector<16x1xi32>
      %gather3A_938 = vector.shape_cast %broadcast_in_dim3A_937 : vector<16x1xi32> to vector<16xi32>
      %gather3A_939 = tpu.dynamic_gather %select_n3A[%gather3A_938] in [0] : vector<16xf32>, vector<16xi32> -> vector<16xf32>
      %add3A_940 = arith.addf %select_n3A, %gather3A_939 : vector<16xf32>
      %xor3A_941 = arith.constant 4 : i32
      %xor3A_942 = vector.broadcast %xor3A_941 : i32 to vector<16xi32>
      %xor3A_943 = arith.xori %iota3A, %xor3A_942 : vector<16xi32>
      %broadcast_in_dim3A_944 = vector.shape_cast %xor3A_943 : vector<16xi32> to vector<16x1xi32>
      %gather3A_945 = vector.shape_cast %broadcast_in_dim3A_944 : vector<16x1xi32> to vector<16xi32>
      %gather3A_946 = tpu.dynamic_gather %select_n3A_801[%gather3A_945] in [0] : vector<16xf32>, vector<16xi32> -> vector<16xf32>
      %add3A_947 = arith.addf %select_n3A_801, %gather3A_946 : vector<16xf32>
      %select_n3A_948 = arith.select %eq3A_933, %add3A_940, %add3A_947 : vector<16xi1>, vector<16xf32>
      %and3A_949 = arith.constant 4 : i32
      %and3A_950 = vector.broadcast %and3A_949 : i32 to vector<16xi32>
      %and3A_951 = arith.andi %iota3A, %and3A_950 : vector<16xi32>
      %eq3A_952 = arith.constant 0 : i32
      %eq3A_953 = vector.broadcast %eq3A_952 : i32 to vector<16xi32>
      %eq3A_954 = arith.cmpi eq, %and3A_951, %eq3A_953 : vector<16xi32>
      %xor3A_955 = arith.constant 4 : i32
      %xor3A_956 = vector.broadcast %xor3A_955 : i32 to vector<16xi32>
      %xor3A_957 = arith.xori %iota3A, %xor3A_956 : vector<16xi32>
      %broadcast_in_dim3A_958 = vector.shape_cast %xor3A_957 : vector<16xi32> to vector<16x1xi32>
      %gather3A_959 = vector.shape_cast %broadcast_in_dim3A_958 : vector<16x1xi32> to vector<16xi32>
      %gather3A_960 = tpu.dynamic_gather %select_n3A_822[%gather3A_959] in [0] : vector<16xf32>, vector<16xi32> -> vector<16xf32>
      %add3A_961 = arith.addf %select_n3A_822, %gather3A_960 : vector<16xf32>
      %xor3A_962 = arith.constant 4 : i32
      %xor3A_963 = vector.broadcast %xor3A_962 : i32 to vector<16xi32>
      %xor3A_964 = arith.xori %iota3A, %xor3A_963 : vector<16xi32>
      %broadcast_in_dim3A_965 = vector.shape_cast %xor3A_964 : vector<16xi32> to vector<16x1xi32>
      %gather3A_966 = vector.shape_cast %broadcast_in_dim3A_965 : vector<16x1xi32> to vector<16xi32>
      %gather3A_967 = tpu.dynamic_gather %select_n3A_843[%gather3A_966] in [0] : vector<16xf32>, vector<16xi32> -> vector<16xf32>
      %add3A_968 = arith.addf %select_n3A_843, %gather3A_967 : vector<16xf32>
      %select_n3A_969 = arith.select %eq3A_954, %add3A_961, %add3A_968 : vector<16xi1>, vector<16xf32>
      %and3A_970 = arith.constant 4 : i32
      %and3A_971 = vector.broadcast %and3A_970 : i32 to vector<16xi32>
      %and3A_972 = arith.andi %iota3A, %and3A_971 : vector<16xi32>
      %eq3A_973 = arith.constant 0 : i32
      %eq3A_974 = vector.broadcast %eq3A_973 : i32 to vector<16xi32>
      %eq3A_975 = arith.cmpi eq, %and3A_972, %eq3A_974 : vector<16xi32>
      %xor3A_976 = arith.constant 4 : i32
      %xor3A_977 = vector.broadcast %xor3A_976 : i32 to vector<16xi32>
      %xor3A_978 = arith.xori %iota3A, %xor3A_977 : vector<16xi32>
      %broadcast_in_dim3A_979 = vector.shape_cast %xor3A_978 : vector<16xi32> to vector<16x1xi32>
      %gather3A_980 = vector.shape_cast %broadcast_in_dim3A_979 : vector<16x1xi32> to vector<16xi32>
      %gather3A_981 = tpu.dynamic_gather %select_n3A_864[%gather3A_980] in [0] : vector<16xf32>, vector<16xi32> -> vector<16xf32>
      %add3A_982 = arith.addf %select_n3A_864, %gather3A_981 : vector<16xf32>
      %xor3A_983 = arith.constant 4 : i32
      %xor3A_984 = vector.broadcast %xor3A_983 : i32 to vector<16xi32>
      %xor3A_985 = arith.xori %iota3A, %xor3A_984 : vector<16xi32>
      %broadcast_in_dim3A_986 = vector.shape_cast %xor3A_985 : vector<16xi32> to vector<16x1xi32>
      %gather3A_987 = vector.shape_cast %broadcast_in_dim3A_986 : vector<16x1xi32> to vector<16xi32>
      %gather3A_988 = tpu.dynamic_gather %select_n3A_885[%gather3A_987] in [0] : vector<16xf32>, vector<16xi32> -> vector<16xf32>
      %add3A_989 = arith.addf %select_n3A_885, %gather3A_988 : vector<16xf32>
      %select_n3A_990 = arith.select %eq3A_975, %add3A_982, %add3A_989 : vector<16xi1>, vector<16xf32>
      %and3A_991 = arith.constant 4 : i32
      %and3A_992 = vector.broadcast %and3A_991 : i32 to vector<16xi32>
      %and3A_993 = arith.andi %iota3A, %and3A_992 : vector<16xi32>
      %eq3A_994 = arith.constant 0 : i32
      %eq3A_995 = vector.broadcast %eq3A_994 : i32 to vector<16xi32>
      %eq3A_996 = arith.cmpi eq, %and3A_993, %eq3A_995 : vector<16xi32>
      %xor3A_997 = arith.constant 4 : i32
      %xor3A_998 = vector.broadcast %xor3A_997 : i32 to vector<16xi32>
      %xor3A_999 = arith.xori %iota3A, %xor3A_998 : vector<16xi32>
      %broadcast_in_dim3A_1000 = vector.shape_cast %xor3A_999 : vector<16xi32> to vector<16x1xi32>
      %gather3A_1001 = vector.shape_cast %broadcast_in_dim3A_1000 : vector<16x1xi32> to vector<16xi32>
      %gather3A_1002 = tpu.dynamic_gather %select_n3A_906[%gather3A_1001] in [0] : vector<16xf32>, vector<16xi32> -> vector<16xf32>
      %add3A_1003 = arith.addf %select_n3A_906, %gather3A_1002 : vector<16xf32>
      %xor3A_1004 = arith.constant 4 : i32
      %xor3A_1005 = vector.broadcast %xor3A_1004 : i32 to vector<16xi32>
      %xor3A_1006 = arith.xori %iota3A, %xor3A_1005 : vector<16xi32>
      %broadcast_in_dim3A_1007 = vector.shape_cast %xor3A_1006 : vector<16xi32> to vector<16x1xi32>
      %gather3A_1008 = vector.shape_cast %broadcast_in_dim3A_1007 : vector<16x1xi32> to vector<16xi32>
      %gather3A_1009 = tpu.dynamic_gather %select_n3A_927[%gather3A_1008] in [0] : vector<16xf32>, vector<16xi32> -> vector<16xf32>
      %add3A_1010 = arith.addf %select_n3A_927, %gather3A_1009 : vector<16xf32>
      %select_n3A_1011 = arith.select %eq3A_996, %add3A_1003, %add3A_1010 : vector<16xi1>, vector<16xf32>
      %and3A_1012 = arith.constant 2 : i32
      %and3A_1013 = vector.broadcast %and3A_1012 : i32 to vector<16xi32>
      %and3A_1014 = arith.andi %iota3A, %and3A_1013 : vector<16xi32>
      %eq3A_1015 = arith.constant 0 : i32
      %eq3A_1016 = vector.broadcast %eq3A_1015 : i32 to vector<16xi32>
      %eq3A_1017 = arith.cmpi eq, %and3A_1014, %eq3A_1016 : vector<16xi32>
      %xor3A_1018 = arith.constant 2 : i32
      %xor3A_1019 = vector.broadcast %xor3A_1018 : i32 to vector<16xi32>
      %xor3A_1020 = arith.xori %iota3A, %xor3A_1019 : vector<16xi32>
      %broadcast_in_dim3A_1021 = vector.shape_cast %xor3A_1020 : vector<16xi32> to vector<16x1xi32>
      %gather3A_1022 = vector.shape_cast %broadcast_in_dim3A_1021 : vector<16x1xi32> to vector<16xi32>
      %gather3A_1023 = tpu.dynamic_gather %select_n3A_948[%gather3A_1022] in [0] : vector<16xf32>, vector<16xi32> -> vector<16xf32>
      %add3A_1024 = arith.addf %select_n3A_948, %gather3A_1023 : vector<16xf32>
      %xor3A_1025 = arith.constant 2 : i32
      %xor3A_1026 = vector.broadcast %xor3A_1025 : i32 to vector<16xi32>
      %xor3A_1027 = arith.xori %iota3A, %xor3A_1026 : vector<16xi32>
      %broadcast_in_dim3A_1028 = vector.shape_cast %xor3A_1027 : vector<16xi32> to vector<16x1xi32>
      %gather3A_1029 = vector.shape_cast %broadcast_in_dim3A_1028 : vector<16x1xi32> to vector<16xi32>
      %gather3A_1030 = tpu.dynamic_gather %select_n3A_969[%gather3A_1029] in [0] : vector<16xf32>, vector<16xi32> -> vector<16xf32>
      %add3A_1031 = arith.addf %select_n3A_969, %gather3A_1030 : vector<16xf32>
      %select_n3A_1032 = arith.select %eq3A_1017, %add3A_1024, %add3A_1031 : vector<16xi1>, vector<16xf32>
      %and3A_1033 = arith.constant 2 : i32
      %and3A_1034 = vector.broadcast %and3A_1033 : i32 to vector<16xi32>
      %and3A_1035 = arith.andi %iota3A, %and3A_1034 : vector<16xi32>
      %eq3A_1036 = arith.constant 0 : i32
      %eq3A_1037 = vector.broadcast %eq3A_1036 : i32 to vector<16xi32>
      %eq3A_1038 = arith.cmpi eq, %and3A_1035, %eq3A_1037 : vector<16xi32>
      %xor3A_1039 = arith.constant 2 : i32
      %xor3A_1040 = vector.broadcast %xor3A_1039 : i32 to vector<16xi32>
      %xor3A_1041 = arith.xori %iota3A, %xor3A_1040 : vector<16xi32>
      %broadcast_in_dim3A_1042 = vector.shape_cast %xor3A_1041 : vector<16xi32> to vector<16x1xi32>
      %gather3A_1043 = vector.shape_cast %broadcast_in_dim3A_1042 : vector<16x1xi32> to vector<16xi32>
      %gather3A_1044 = tpu.dynamic_gather %select_n3A_990[%gather3A_1043] in [0] : vector<16xf32>, vector<16xi32> -> vector<16xf32>
      %add3A_1045 = arith.addf %select_n3A_990, %gather3A_1044 : vector<16xf32>
      %xor3A_1046 = arith.constant 2 : i32
      %xor3A_1047 = vector.broadcast %xor3A_1046 : i32 to vector<16xi32>
      %xor3A_1048 = arith.xori %iota3A, %xor3A_1047 : vector<16xi32>
      %broadcast_in_dim3A_1049 = vector.shape_cast %xor3A_1048 : vector<16xi32> to vector<16x1xi32>
      %gather3A_1050 = vector.shape_cast %broadcast_in_dim3A_1049 : vector<16x1xi32> to vector<16xi32>
      %gather3A_1051 = tpu.dynamic_gather %select_n3A_1011[%gather3A_1050] in [0] : vector<16xf32>, vector<16xi32> -> vector<16xf32>
      %add3A_1052 = arith.addf %select_n3A_1011, %gather3A_1051 : vector<16xf32>
      %select_n3A_1053 = arith.select %eq3A_1038, %add3A_1045, %add3A_1052 : vector<16xi1>, vector<16xf32>
      %and3A_1054 = arith.constant 1 : i32
      %and3A_1055 = vector.broadcast %and3A_1054 : i32 to vector<16xi32>
      %and3A_1056 = arith.andi %iota3A, %and3A_1055 : vector<16xi32>
      %eq3A_1057 = arith.constant 0 : i32
      %eq3A_1058 = vector.broadcast %eq3A_1057 : i32 to vector<16xi32>
      %eq3A_1059 = arith.cmpi eq, %and3A_1056, %eq3A_1058 : vector<16xi32>
      %xor3A_1060 = arith.constant 1 : i32
      %xor3A_1061 = vector.broadcast %xor3A_1060 : i32 to vector<16xi32>
      %xor3A_1062 = arith.xori %iota3A, %xor3A_1061 : vector<16xi32>
      %broadcast_in_dim3A_1063 = vector.shape_cast %xor3A_1062 : vector<16xi32> to vector<16x1xi32>
      %gather3A_1064 = vector.shape_cast %broadcast_in_dim3A_1063 : vector<16x1xi32> to vector<16xi32>
      %gather3A_1065 = tpu.dynamic_gather %select_n3A_1032[%gather3A_1064] in [0] : vector<16xf32>, vector<16xi32> -> vector<16xf32>
      %add3A_1066 = arith.addf %select_n3A_1032, %gather3A_1065 : vector<16xf32>
      %xor3A_1067 = arith.constant 1 : i32
      %xor3A_1068 = vector.broadcast %xor3A_1067 : i32 to vector<16xi32>
      %xor3A_1069 = arith.xori %iota3A, %xor3A_1068 : vector<16xi32>
      %broadcast_in_dim3A_1070 = vector.shape_cast %xor3A_1069 : vector<16xi32> to vector<16x1xi32>
      %gather3A_1071 = vector.shape_cast %broadcast_in_dim3A_1070 : vector<16x1xi32> to vector<16xi32>
      %gather3A_1072 = tpu.dynamic_gather %select_n3A_1053[%gather3A_1071] in [0] : vector<16xf32>, vector<16xi32> -> vector<16xf32>
      %add3A_1073 = arith.addf %select_n3A_1053, %gather3A_1072 : vector<16xf32>
      %select_n3A_1074 = arith.select %eq3A_1059, %add3A_1066, %add3A_1073 : vector<16xi1>, vector<16xf32>
      %broadcast_in_dim3A_1075 = vector.shape_cast %or3A_63 : vector<16xi32> to vector<16x1xi32>
      %gather3A_1076 = vector.shape_cast %broadcast_in_dim3A_1075 : vector<16x1xi32> to vector<16xi32>
      %gather3A_1077 = tpu.dynamic_gather %select_n3A_1074[%gather3A_1076] in [0] : vector<16xf32>, vector<16xi32> -> vector<16xf32>
      %mul3A_1078 = arith.constant 16 : i32
      %mul3A_1079 = arith.muli %scan3A_69, %mul3A_1078 : i32
      %swap3A = arith.index_cast %mul3A_1079 : i32 to index
      %swap3A_1080 = tpu.vector_load %arg11[%swap3A] {strides = array<i32>} : memref<128xf32, #tpu.memory_space<vmem>>, vector<16xf32>,
      %swap3A_1081 = vector.shape_cast %swap3A_1080 : vector<16xf32> to vector<16xf32>
      %swap3A_1082 = vector.shape_cast %gather3A_1077 : vector<16xf32> to vector<16xf32>
      tpu.vector_store %arg11[%swap3A], %swap3A_1082 {strides = array<i32>} : memref<128xf32, #tpu.memory_space<vmem>>, vector<16xf32>,
    }
    %scan3A_68 = arith.constant 8 : i32
    "tpu.region"() ({
      %run_scoped3A = tpu.sem_alloc : memref<!tpu.dma_semaphore, #tpu.memory_space<semaphore_mem>>
      %dma_start3A_69 = tpu.memref_slice %arg6[%mul3A_2] : memref<4096xf32, #tpu.memory_space<hbm>> -> memref<128xf32, #tpu.memory_space<hbm>>
      %dma_start3A_70 = tpu.memref_slice %arg6[%mul3A_2] : memref<4096xf32, #tpu.memory_space<hbm>> -> memref<128xf32, #tpu.memory_space<hbm>>
      tpu.enqueue_dma source(%arg11 : memref<128xf32, #tpu.memory_space<vmem>>) target(%dma_start3A_70 : memref<128xf32, #tpu.memory_space<hbm>>) target_semaphore(%run_scoped3A : memref<!tpu.dma_semaphore, #tpu.memory_space<semaphore_mem>>)
      %dma_wait3A_71 = tpu.memref_slice %arg6[%mul3A_2] : memref<4096xf32, #tpu.memory_space<hbm>> -> memref<128xf32, #tpu.memory_space<hbm>>
      %dma_wait3A_72 = tpu.memref_slice %arg6[%mul3A_2] : memref<4096xf32, #tpu.memory_space<hbm>> -> memref<128xf32, #tpu.memory_space<hbm>>
      tpu.wait_dma2 semaphore(%run_scoped3A : memref<!tpu.dma_semaphore, #tpu.memory_space<semaphore_mem>>) src(%arg11 : memref<128xf32, #tpu.memory_space<vmem>>) dst(%dma_wait3A_72 : memref<128xf32, #tpu.memory_space<hbm>>)
      tpu.yield
    }) : () -> ()
    return
  }
}

</mosaic_0001>

<sc_bundles>
// kernel: _sc_call.3.cloned.1.call-start
scs
__scs_entry_jumppad:
0x0: {  	(pc) =	sbr.rel $0x88, $3  }
0x1: {  	(tag) =	ssettag $0x0;
	lr =	simm.s32 $0x1  }
0x2: {  	[smem:$0x3F9D] =	sst lr;
	_ =	strace $0xD0000000  }
0x3: {  	_ = 	snop  }
0x4: {  	_ = 	snop  }
0x5: {  	_ = 	snop  }
0x6: {  	_ = 	snop  }
0x7: {  	_ = 	snop  }
__scs_overlays_trampoline_lowered:
0x8: {  	[smem:$0x3FAC] =	sst s0  }
0x9: {  	[smem:$0x3FAD] =	sst s1  }
0xa: {  	[smem:$0x3FAE] =	sst s2  }
0xb: {  	[smem:$0x3FAF] =	sst s3  }
0xc: {  	[smem:$0x3FB0] =	sst s4  }
0xd: {  	[smem:$0x3FB1] =	sst s5  }
0xe: {  	[smem:$0x3FB2] =	sst s6  }
0xf: {  	[smem:$0x3FB3] =	sst s7  }
0x10: {  	[smem:$0x3FB4] =	sst s8  }
0x11: {  	[smem:$0x3FB5] =	sst s9;
	s0 =	simm.s32 @!p0 $0x0  }
0x12: {  	s1 =	sld [smem:$0x3F9B];
	s0 =	simm.s32 @p0 $0x1  }
0x13: {  	[smem:$0x3FB6] =	sst s0;
	s0 =	simm.s32 @!p1 $0x0  }
0x14: {  	s2 =	sld [smem:$0x3F9A];
	s0 =	simm.s32 @p1 $0x1  }
0x15: {  	[smem:$0x3FB7] =	sst s0;
	s0 =	simm.s32 @!p2 $0x0  }
0x16: {  	s3 =	sld [smem:$0x3FDB];
	s0 =	simm.s32 @p2 $0x1  }
0x17: {  	s4 =	simm.s32 $0x1BF5;
	[smem:$0x3FB9] =	sst s0  }
0x18: {  	s0 =	sld [smem:$0x3F9C];
	_ =	swait.ge [sflag:s4], $0x0  }
0x19: {  	s7 =	sld [smem:$0x3F9D]  }
0x1a: {  	s8 =	sadd.s32 $0xFFFFE003, lr  }
0x1b: {  	s9 =	sadd.s32 $0xFFFFFEF7, lr;
	s5 =	simm.s32 $0xFFFFFFFF;
	p2 =	slt.u32 s8, $0xFFFFF086  }
0x1c: {  	p1 =	slt.u32 s9, $0xF7A;
	s5 =	simm.s32 @!p2 $0x0  }
0x1d: {  	s5 =	simm.s32 @p1 $0x1;
	p0 =	seq.s32 s7, s2  }
0x1e: {  	s7 =	smul.u32 @!p0 $0xF7A, s2;
	p2 =	seq.s32 @!p0 s5, $0x0  }
0x1f: {  	s9 =	smul.u32 $0xF7A, s1;
	s8 =	simm.s32 @!p0 $0x1BF5;
	p2 =	por !p2, p0  }
0x20: {  	[sflag:s8] =	ssyncset.s32 @!p0 $0xFFFFF086;
	s6 =	sadd.s32 @!p0 s3, s7;
	s7 =	simm.s32 @!p0 $0x108  }
0x21: {  	s3 =	sadd.s32 s3, s9;
	s6 =	sadd.s32 @!p0 $0x88, s6;
	s7 =	simm.s32 @p2 $0x1082  }
0x22: {  	[simem:s7], [sflag:s8] =	dma.local @!p0 [hbm:s6], $0xF7A  }
0x23: {  	s9 =	sor.u32 $0xD0000000, s2;
	s6 =	simm.s32 $0x108;
	_ =	swait.ge @!p0 [sflag:s8], $0x0  }
0x24: {  	s3 =	sadd.s32 $0x88, s3;
	s6 =	simm.s32 @!p1 $0x1082;
	[sflag:s4] =	ssyncset.s32 $0xFFFFF086  }
0x25: {  	[simem:s6], [sflag:s4] =	dma.local [hbm:s3], $0xF7A  }
0x26: {  	[smem:$0x3F9D] =	sst s1;
	(tag) =	ssettag s2;
	_ =	strace s9  }
0x27: {  	s1 =	sld [smem:$0x3FAD]  }
0x28: {  	s2 =	sld [smem:$0x3FAE]  }
0x29: {  	s4 =	sld [smem:$0x3FB0]  }
0x2a: {  	p0 =	seq.s32 s5, $0x0;
	s5 =	sld [smem:$0x3FB1]  }
0x2b: {  	s6 =	sld [smem:$0x3FB2]  }
0x2c: {  	s7 =	sld [smem:$0x3FB3]  }
0x2d: {  	s3 =	simm.s32 $0x108;
	s8 =	sld [smem:$0x3FB4]  }
0x2e: {  	s3 =	simm.s32 @!p0 $0x1082;
	s9 =	sld [smem:$0x3FB5]  }
0x2f: {  	lr =	sadd.s32 s0, s3;
	s0 =	sld [smem:$0x3FAC]  }
0x30: {  	s3 =	sld [smem:$0x3FAF]  }
0x31: {  	[smem:$0x3FB8] =	sst s10  }
0x32: {  	s10 =	sld [smem:$0x3FB6];
	_ =	sdelay $0x3  }
0x33: {  	p0 =	seq.s32 s10, $0x1;
	s10 =	sld [smem:$0x3FB8];
	_ =	sdelay $0x3  }
0x34: {  	[smem:$0x3FB8] =	sst s10  }
0x35: {  	s10 =	sld [smem:$0x3FB7];
	_ =	sdelay $0x3  }
0x36: {  	p1 =	seq.s32 s10, $0x1;
	s10 =	sld [smem:$0x3FB8];
	_ =	sdelay $0x3  }
0x37: {  	[smem:$0x3FB8] =	sst s10  }
0x38: {  	s10 =	sld [smem:$0x3FB9]  }
0x39: {  	_ = 	snop;
	(pc) =	sbr.ind lr, $3  }
0x3a: {  	_ = 	snop  }
0x3b: {  	_ = 	snop  }
0x3c: {  	p2 =	seq.s32 s10, $0x1;
	s10 =	sld [smem:$0x3FB8]  }
0x3d: {  	_ =	shalt  }
0x3e: {  	_ =	shalt  }
0x3f: {  	_ =	shalt  }
0x40: {  	_ =	shalt  }
0x41: {  	_ =	shalt  }
0x42: {  	_ =	shalt  }
0x43: {  	_ =	shalt  }
0x44: {  	_ =	shalt  }
0x45: {  	_ =	shalt  }
0x46: {  	_ =	shalt  }
0x47: {  	_ =	shalt  }
0x48: {  	_ =	shalt  }
0x49: {  	_ =	shalt  }
0x4a: {  	_ =	shalt  }
0x4b: {  	_ =	shalt  }
0x4c: {  	_ =	shalt  }
0x4d: {  	_ =	shalt  }
0x4e: {  	_ =	shalt  }
0x4f: {  	_ =	shalt  }
0x50: {  	_ =	shalt  }
0x51: {  	_ =	shalt  }
0x52: {  	_ =	shalt  }
0x53: {  	_ =	shalt  }
0x54: {  	_ =	shalt  }
0x55: {  	_ =	shalt  }
0x56: {  	_ =	shalt  }
0x57: {  	_ =	shalt  }
0x58: {  	_ =	shalt  }
0x59: {  	_ =	shalt  }
0x5a: {  	_ =	shalt  }
0x5b: {  	_ =	shalt  }
0x5c: {  	_ =	shalt  }
0x5d: {  	_ =	shalt  }
0x5e: {  	_ =	shalt  }
0x5f: {  	_ =	shalt  }
0x60: {  	_ =	shalt  }
0x61: {  	_ =	shalt  }
0x62: {  	_ =	shalt  }
0x63: {  	_ =	shalt  }
0x64: {  	_ =	shalt  }
0x65: {  	_ =	shalt  }
0x66: {  	_ =	shalt  }
0x67: {  	_ =	shalt  }
0x68: {  	_ =	shalt  }
0x69: {  	_ =	shalt  }
0x6a: {  	_ =	shalt  }
0x6b: {  	_ =	shalt  }
0x6c: {  	_ =	shalt  }
0x6d: {  	_ =	shalt  }
0x6e: {  	_ =	shalt  }
0x6f: {  	_ =	shalt  }
0x70: {  	_ =	shalt  }
0x71: {  	_ =	shalt  }
0x72: {  	_ =	shalt  }
0x73: {  	_ =	shalt  }
0x74: {  	_ =	shalt  }
0x75: {  	_ =	shalt  }
0x76: {  	_ =	shalt  }
0x77: {  	_ =	shalt  }
0x78: {  	_ =	shalt  }
0x79: {  	_ =	shalt  }
0x7a: {  	_ =	shalt  }
0x7b: {  	_ =	shalt  }
0x7c: {  	_ =	shalt  }
0x7d: {  	_ =	shalt  }
0x7e: {  	_ =	shalt  }
0x7f: {  	_ =	shalt  }
0x80: {  	_ =	shalt  }
0x81: {  	_ =	shalt  }
0x82: {  	_ =	shalt  }
0x83: {  	_ =	shalt  }
0x84: {  	_ =	shalt  }
0x85: {  	_ =	shalt  }
0x86: {  	_ =	shalt  }
0x87: {  	_ =	shalt  }
.Lfunc_end0:
.L_simem_size_0:
called_computation_lowered:
.L_overlay_start_0:
0x88: {  	s2 =	sld [smem:$0x3FD9]  }
0x89: {  	s3 =	sld [smem:$0x3FFE];
	_ =	sdelay $0x1  }
0x8a: {  	s1 =	srdreg.scid  }
0x8b: {  	s0 =	sand.u32 $0x1, s1  }
0x8c: {  	s17 =	sshll.u32 s0, $0xA;
	s2 =	sadd.s32 s3, s2  }
0x8d: {  	s2 =	sadd.s32 s2, s17  }
0x8e: {  	[smem:$0x3FC4] =	sst s2  }
0x8f: {  	_ = 	snop  }
0x90: {  	s2 =	sld [smem:$0x3FC9]  }
0x91: {  	s18 =	sld [smem:$0x3FC8]  }
0x92: {  	s4 =	sld [smem:$0x3FD0];
	(tm) =	ssettm $0x1  }
0x93: {  	s5 =	sld [smem:$0x3FFB];
	_ =	sdelay $0x3  }
0x94: {  	_ =	strace s5  }
0x95: {  	s5 =	sld [smem:$0x3FFC];
	_ =	sdelay $0x3  }
0x96: {  	_ =	strace s5  }
0x97: {  	s5 =	sld [smem:$0x3FFD];
	_ =	sdelay $0x3  }
0x98: {  	_ =	strace s5  }
0x99: {  	_ =	strace $0x8FFFFFFF  }
0x9a: {  	s19 =	sld [smem:$0x3FDB];
	_ =	sdelay $0x1  }
0x9b: {  	s6 =	simm.s32 $_scs_section_size  }
0x9c: {  	s7 =	simm.s32 $_size__tile_overlayer_lowered;
	s8 =	simm.s32 $_tile_overlayer_lowered  }
0x9d: {  	s22 =	simm.s32 $0x1BFF;
	s21 =	sshll.u32 s8, $0x1;
	s5 =	sadd.s32 s6, s19  }
0x9e: {  	s9 =	simm.s32 $0x0;
	s20 =	sshll.u32 s7, $0x1;
	s7 =	sadd.s32 s21, s5  }
0x9f: {  	[timem:s9], [sflag:s22] =	dma.local [hbm:s7], s20  }
0xa0: {  	_ =	swait.ge [sflag:s22], s20  }
0xa1: {  	s6 =	ssub.s32 $0x0, s20;
	[sflag:s22] =	ssyncset.done $0x0  }
0xa2: {  	[sflag:s22] =	ssyncadd.s32 s6;
	_ =	sdelay $0x1  }
0xa3: {  	s23 =	simm.s32 $0x1B8B  }
0xa4: {  	_ =	swait.ge [sflag:s23], $0x1  }
0xa5: {  	[sflag:s23] =	ssyncset.done $0x0  }
0xa6: {  	s25 =	simm.s32 $0x1B8E;
	s24 =	sld [smem:$0x3FFE];
	[sflag:s23] =	ssyncadd.s32 $0xFFFFFFFF  }
0xa7: {  	s26 =	simm.s32 $execute0_lowered;
	[smem:$0x3FD2] =	sst s25  }
0xa8: {  	s7 =	sshll.u32 s26, $0x1;
	_ =	strace $0x80000046;
	[dreg:$0x1] =	wrdreg $0xFFFFFFFF  }
0xa9: {  	s28 =	simm.s32 $_size_execute0_lowered;
	s5 =	sadd.s32 s5, s7;
	[dreg:$0x0] =	wrdreg $0x0  }
0xaa: {  	s7 =	sshll.u32 s28, $0x1;
	[dreg:$0x2] =	wrdreg s5  }
0xab: {  	[dreg:$0x3] =	wrdreg s7  }
0xac: {  	[dreg:$0x4] =	wrdreg $0xC0  }
0xad: {  	_ =	task [dreg:s9], $0x5FFFF  }
0xae: {  	[dreg:$0x1] =	wrdreg $0xFFFFFFFF  }
0xaf: {  	[dreg:$0x0] =	wrdreg $0x60  }
0xb0: {  	[dreg:$0x2] =	wrdreg s2  }
0xb1: {  	[dreg:$0x3] =	wrdreg s18  }
0xb2: {  	[dreg:$0x4] =	wrdreg s24  }
0xb3: {  	[dreg:$0x5] =	wrdreg s4  }
0xb4: {  	[dreg:$0x6] =	wrdreg $0x9  }
0xb5: {  	_ =	task.clear_ibuf [dreg:s9], $0x7FFFF;
	_ =	strace $0x90000046  }
0xb6: {  	s29 =	simm.s32 $0x9;
	_ =	strace $0x80000048  }
0xb7: {  	_ =	swait.ge [sflag:s29], $0x1  }
0xb8: {  	[sflag:s29] =	ssyncadd.s32 $0xFFFFFFFF  }
0xb9: {  	_ =	strace $0x90000048  }
0xba: {  	_ =	sfence  }
0xbb: {  	s30 =	sld [smem:$0x0];
	_ =	sdelay $0x2  }
0xbc: {  	s31 =	sshll.u32 s1, $0xD;
	s1 =	sshrl.u32 s1, $0x2  }
0xbd: {  	s3 =	sand.u32 $0x4000, s31;
	s1 =	sadd.s32 s1, s30  }
0xbe: {  	s0 =	sor.u32 s3, s0;
	s1 =	sshll.u32 s1, $0x11  }
0xbf: {  	s0 =	sor.u32 s1, s0  }
0xc0: {  	s0 =	sadd.s32 $0x8F2B, s0  }
0xc1: {  	[sflag:s0] =	ssyncadd.remote.s32 $0x1  }
0xc2: {  	_ =	sfence.sel $0xFFFF  }
0xc3: {  	[dreg:$0x0] =	wrdreg $0xFFFFFFFF;
	(pc) =	sbr.abs _section_cstart, $3  }
0xc4: {  	[dreg:$0x1] =	wrdreg $0xFFFFFFFF  }
0xc5: {  	_ =	task.clear_ibuf [dreg:s9], $0x2FFFF;
	_ =	strace $0x9FFFFFFF  }
0xc6: {  	(tm) =	ssettm $0x7FFFFFFF  }
0xc7: {  	_ =	shalt  }
tec
execute0_lowered:
.L_overlay_start_1:
0x0: {  	(tag) =	ssettag $0x1  }
0x1: {  	v0 =	vimm.s32 $0x76543210;
	v1 =	vimm.s32 $0xFEDCBA98  }
0x2: {  	v2 =	vimm.s32 $0xBA98FEDC;
	v3 =	vimm.s32 $0x32107654;
	v4 =	vimm.s32 $0xDCFE98BA  }
0x3: {  	v5 =	vimm.s32 $0x54761032;
	vm0 =	vcmask $0x2F20;
	vm1 =	vcmask $0xF00  }
0x4: {  	vm2 =	vcmask $0x700;
	vm3 =	vcmask $0xB08;
	v1 =	vunpack.c.l.s4.s8 v1  }
0x5: {  	vm4 =	vcmask $0x300;
	v60 =	vimm.s32 $0x67452301;
	v0 =	vunpack.c.l.s4.s8 v0  }
0x6: {  	v2 =	vunpack.c.l.s4.s8 v2;
	v3 =	vunpack.c.l.s4.s8 v3;
	v1 =	vunpack.c.0.s8.s32 v1  }
0x7: {  	v4 =	vunpack.c.l.s4.s8 v4;
	v5 =	vunpack.c.l.s4.s8 v5;
	v0 =	vunpack.c.0.s8.s32 v0  }
0x8: {  	s5 =	rddreg [dreg:$0x0];
	v2 =	vunpack.c.0.s8.s32 v2;
	v3 =	vunpack.c.0.s8.s32 v3;
	v1 =	vand.u32 $0xF, v1  }
0x9: {  	s6 =	rddreg [dreg:$0x1];
	v61 =	vimm.s32 $0xF7B3D591;
	v6 =	vimm.s32 $0xE6A2C480;
	v0 =	vcombine.low v1, v0  }
0xa: {  	s4 =	rddreg [dreg:$0x2];
	v1 =	vcombine.low v3, v2;
	v2 =	vunpack.c.0.s8.s32 v4;
	v3 =	vunpack.c.0.s8.s32 v5  }
0xb: {  	s7 =	rddreg [dreg:$0x3];
	vm0 =	vmor vm1, vm0;
	vm1 =	vcmask $0x1710;
	vm3 =	vmor vm4, vm3  }
0xc: {  	s0 =	rddreg [dreg:$0x4];
	vm4 =	vcmask $0x1310;
	v2 =	vcombine.low v3, v2;
	v3 =	vimm.s32 $0xEFCDAB89  }
0xd: {  	s1 =	simm.s32 $0x0;
	s2 =	srdreg.scid;
	s12 =	simm.s32 $0x100;
	v6 =	vunpack.c.l.s4.s8 v6;
	v4 =	vunpack.c.l.s4.s8 v60;
	v3 =	vunpack.c.l.s4.s8 v3  }
0xe: {  	s13 =	simm.s32 $0x2100;
	s14 =	simm.s32 $0x1100;
	s15 =	simm.s32 $0xC0;
	vm1 =	vmor vm2, vm1;
	vm2 =	vcmask $0x2720;
	vm3 =	vmor vm3, vm4  }
0xf: {  	s16 =	simm.s32 $0x3100;
	s17 =	simm.s32 $0x4100;
	s18 =	simm.s32 $0x4;
	vm4 =	vcmask $0x1B18;
	v4 =	vunpack.c.0.s8.s32 v4;
	v3 =	vunpack.c.0.s8.s32 v3  }
0x10: {  	s19 =	simm.s32 $0x0;
	[smem:$0x7FF] =	sst s1;
	s8 =	sand.u32 $0x1, s2;
	vm1 =	vmor vm1, vm2;
	vm2 =	vcmask $0x3730;
	v5 =	vunpack.c.l.s4.s8 v61  }
0x11: {  	s3 =	sadd.s32 $0x600, s4;
	s2 =	stileid.u32;
	s4 =	sadd.s32 $0x2600, s4;
	vm3 =	vmor vm3, vm4;
	vm4 =	vcmask $0x2320;
	v3 =	vcombine.low v4, v3  }
.Ltmp0:
0x12: {  	_ =	strace $0x80000047;
	s9 =	ssub.s32 $0x2, s8;
	v63 =	vunpack.c.0.s8.s32 v6;
	v62 =	vunpack.c.0.s8.s32 v5;
	v2 =	vand.u32 $0xF, v2;
	(pc) =	sbr.rel .LBB2_1-.Ltmp0, $4  }
0x13: {  	s11 =	sshll.u32 s2, $0x5;
	s8 =	sshll.u32 s8, $0x4;
	s10 =	sshrl.u32 s9, $0x1;
	vm3 =	vmor vm3, vm4;
	vm4 =	vcmask $0x2B28;
	[tilespmem:$0x1FFD0] =	vst v2;
	v2 =	vand.u32 $0xF, v3  }
0x14: {  	s8 =	sor.u32 s8, s11;
	s11 =	simm.s32 $0x40;
	s9 =	ssub.s32 s9, s10;
	vm3 =	vmor vm3, vm4;
	vm4 =	vcmask $0x3330;
	[tilespmem:$0x1FFE0] =	vst v2;
	v2 =	vcombine.low v63, v62  }
0x15: {  	s5 =	sadd.s32 s5, s8;
	s6 =	sadd.s32 s6, s8;
	s7 =	sadd.s32 s7, s8;
	vm1 =	vmor vm1, vm2;
	vm2 =	vmor vm3, vm4;
	vm3 =	vcmask $0x3B38  }
0x16: {  	s10 =	simm.s32 $0x1;
	s8 =	smax.u32 s9, $0x1;
	s9 =	simm.s32 $0x80;
	vm2 =	vmor vm2, vm3;
	vm3 =	vmmov $0xff;
	v1 =	vand.u32 $0xF, v1;
	[tilespmem:$0x1FFF0] =	vst v2  }
.LBB2_8:
0x17: {  	s19 =	sadd.s32 $0x1, s19  }
0x18: {  	p0 =	sne.s32 s19, s8  }
.Ltmp1:
0x19: {  	_ = 	snop;
	(pc) =	sbr.rel @!p0 .LBB2_9-.Ltmp1, $4  }
0x1a: {  	[hbm4b:s7+s1] =	stream.linear.scatter [tilespmem:s17], [sflag:$0x4], $0x80, $0x38;
	[tilespmem:$0x4180] =	vst v63  }
0x1b: {  	_ =	swait.ge [sflag:s18], $0x80  }
0x1c: {  	[sflag:s18] =	ssyncset.done $0x0  }
0x1d: {  	[sflag:s18] =	ssyncadd.s32 $0xFFFFFF80  }
.LBB2_1:
0x1e: {  	[tilespmem:s1], [sflag:$0x1] =	stream.linear.gather [hbm4b:s5+s1], $0x80, $0x38;
	[tilespmem:$0x4180] =	vst v63  }
0x1f: {  	_ = 	snop  }
0x20: {  	[tilespmem:s9], [sflag:$0x1] =	stream.linear.gather [hbm4b:s6+s1], $0x80, $0x38;
	[tilespmem:$0x4180] =	vst v63  }
0x21: {  	_ =	swait.ge [sflag:s10], $0x80  }
0x22: {  	[sflag:s10] =	ssyncset.done $0x0  }
0x23: {  	[sflag:s10] =	ssyncadd.s32 $0xFFFFFF80  }
0x24: {  	_ =	swait.ge [sflag:s10], $0x80  }
0x25: {  	[sflag:s10] =	ssyncset.done $0x0  }
0x26: {  	[sflag:s10] =	ssyncadd.s32 $0xFFFFFF80  }
0x27: {  	[tilespmem:s12], [sflag:$0x2] =	stream.indirect.gather [hbm4b:s3+s11], $0x40, s1, s11, $0xb8;
	[tilespmem:$0x4180] =	vst v63  }
0x28: {  	_ = 	snop  }
0x29: {  	[tilespmem:s13], [sflag:$0x2] =	stream.indirect.gather [hbm4b:s4+s11], $0x40, s9, s11, $0xb8;
	[tilespmem:$0x4180] =	vst v63  }
.Ltmp2:
0x2a: {  	_ = 	snop;
	(pc) =	sbr.rel .LBB2_2-.Ltmp2, $4  }
0x2b: {  	s20 =	simm.s32 $0x300  }
0x2c: {  	[tilespmem:s14], [sflag:$0x3] =	stream.indirect.gather [hbm4b:s3+s11], $0x40, s11, s11, $0xb8;
	[tilespmem:$0x4180] =	vst v63  }
0x2d: {  	s21 =	simm.s32 $0x2300;
	s22 =	simm.s32 $0x4100;
	s23 =	simm.s32 $0x0  }
0x2e: {  	[tilespmem:s16], [sflag:$0x3] =	stream.indirect.gather [hbm4b:s4+s11], $0x40, s15, s11, $0xb8;
	[tilespmem:$0x4180] =	vst v63  }
.LBB2_3:
0x2f: {  	s24 =	simm.s32 $0x2  }
.LBB2_6:
0x30: {  	_ =	swait.ge [sflag:s24], $0x1000  }
0x31: {  	[sflag:s24] =	ssyncset.done $0x0  }
0x32: {  	[sflag:s24] =	ssyncadd.s32 $0xFFFFF000  }
0x33: {  	_ =	swait.ge [sflag:s24], $0x1000  }
0x34: {  	[sflag:s24] =	ssyncset.done $0x0  }
0x35: {  	[sflag:s24] =	ssyncadd.s32 $0xFFFFF000  }
.LBB2_7:
0x36: {  	v5 =	vld [tilespmem:s20+$0xFFFFFE00]  }
0x37: {  	v6 =	vld [tilespmem:s21+$0xFFFFFE00]  }
0x38: {  	v7 =	vld [tilespmem:s20+$0xFFFFFE10]  }
0x39: {  	v8 =	vld [tilespmem:s21+$0xFFFFFE10]  }
0x3a: {  	v9 =	vld [tilespmem:s20+$0xFFFFFE20]  }
0x3b: {  	v10 =	vld [tilespmem:s21+$0xFFFFFE20]  }
0x3c: {  	v2 =	vld [tilespmem:s20+$0xFFFFFE30]  }
0x3d: {  	v60 =	vld [tilespmem:s21+$0xFFFFFE30]  }
0x3e: {  	v13 =	vld [tilespmem:s20+$0xFFFFFE40]  }
0x3f: {  	v14 =	vld [tilespmem:s21+$0xFFFFFE40]  }
0x40: {  	v15 =	vld [tilespmem:s20+$0xFFFFFE50]  }
0x41: {  	v16 =	vld [tilespmem:s21+$0xFFFFFE50]  }
0x42: {  	v17 =	vld [tilespmem:s20+$0xFFFFFE60]  }
0x43: {  	v18 =	vld [tilespmem:s21+$0xFFFFFE60]  }
0x44: {  	v19 =	vld [tilespmem:s20+$0xFFFFFE70]  }
0x45: {  	v20 =	vld [tilespmem:s21+$0xFFFFFE70]  }
0x46: {  	v21 =	vld [tilespmem:s20+$0xFFFFFE80]  }
0x47: {  	v22 =	vld [tilespmem:s21+$0xFFFFFE80]  }
0x48: {  	v23 =	vld [tilespmem:s20+$0xFFFFFE90]  }
0x49: {  	v24 =	vld [tilespmem:s21+$0xFFFFFE90]  }
0x4a: {  	v25 =	vld [tilespmem:s20+$0xFFFFFEA0]  }
0x4b: {  	v26 =	vld [tilespmem:s21+$0xFFFFFEA0]  }
0x4c: {  	v41 =	vld [tilespmem:s20+$0xFFFFFEB0]  }
0x4d: {  	v28 =	vld [tilespmem:s21+$0xFFFFFEB0]  }
0x4e: {  	v29 =	vld [tilespmem:s20+$0xFFFFFEC0]  }
0x4f: {  	v30 =	vld [tilespmem:s21+$0xFFFFFEC0]  }
0x50: {  	v31 =	vld [tilespmem:s20+$0xFFFFFED0]  }
0x51: {  	v32 =	vld [tilespmem:s21+$0xFFFFFED0]  }
0x52: {  	v33 =	vld [tilespmem:s20+$0xFFFFFEE0]  }
0x53: {  	v34 =	vld [tilespmem:s21+$0xFFFFFEE0]  }
0x54: {  	v37 =	vld [tilespmem:s20+$0xFFFFFF00]  }
0x55: {  	v38 =	vld [tilespmem:s21+$0xFFFFFF00]  }
0x56: {  	v39 =	vld [tilespmem:s20+$0xFFFFFF10]  }
0x57: {  	v40 =	vld [tilespmem:s21+$0xFFFFFF10]  }
0x58: {  	v59 =	vld [tilespmem:s21+$0xFFFFFF20]  }
0x59: {  	v45 =	vld [tilespmem:s20+$0xFFFFFF40]  }
0x5a: {  	v46 =	vld [tilespmem:s21+$0xFFFFFF40]  }
0x5b: {  	v47 =	vld [tilespmem:s20+$0xFFFFFF50]  }
0x5c: {  	v48 =	vld [tilespmem:s21+$0xFFFFFF50]  }
0x5d: {  	v49 =	vld [tilespmem:s20+$0xFFFFFF60]  }
0x5e: {  	v50 =	vld [tilespmem:s21+$0xFFFFFF60]  }
0x5f: {  	v53 =	vld [tilespmem:s20+$0xFFFFFF80]  }
0x60: {  	v54 =	vld [tilespmem:s21+$0xFFFFFF80]  }
0x61: {  	v55 =	vld [tilespmem:s20+$0xFFFFFF90]  }
0x62: {  	v56 =	vld [tilespmem:s21+$0xFFFFFF90]  }
0x63: {  	v58 =	vld [tilespmem:s21+$0xFFFFFFA0]  }
0x64: {  	v61 =	vld [tilespmem:s20+$0xFFFFFFC0]  }
0x65: {  	v62 =	vld [tilespmem:s21+$0xFFFFFFC0]  }
0x66: {  	v63 =	vld [tilespmem:s20+$0xFFFFFFD0]  }
0x67: {  	v12 =	vld [tilespmem:s21+$0xFFFFFFD0]  }
0x68: {  	v11 =	vld [tilespmem:s20+$0x0]  }
0x69: {  	v4 =	vld [tilespmem:s21+$0x0]  }
0x6a: {  	v3 =	vld [tilespmem:s20+$0x10]  }
0x6b: {  	v27 =	vld [tilespmem:s20+$0x20]  }
0x6c: {  	v44 =	vld [tilespmem:s21+$0x20]  }
0x6d: {  	v51 =	vld [tilespmem:s20+$0x30]  }
0x6e: {  	v52 =	vld [tilespmem:s21+$0x30]  }
0x6f: {  	v36 =	vld [tilespmem:s20+$0x50]  }
0x70: {  	v35 =	vld [tilespmem:s20+$0x60]  }
0x71: {  	v57 =	vld [tilespmem:s21+$0x60]  }
0x72: {  	v42 =	vld [tilespmem:s20+$0x70]  }
0x73: {  	v43 =	vld [tilespmem:s21+$0x70]  }
0x74: {  	[tilespmem:$0x1FDB0] =	vst v2;
	v2 =	vld [tilespmem:s20+$0xFFFFFEF0]  }
0x75: {  	[tilespmem:$0x1FED0] =	vst v52;
	v52 =	vld [tilespmem:s20+$0x40]  }
0x76: {  	[tilespmem:$0x1FEB0] =	vst v44;
	v44 =	vld [tilespmem:s21+$0x40]  }
0x77: {  	[tilespmem:$0x1FEA0] =	vst v27;
	v27 =	vld [tilespmem:s21+$0x50]  }
0x78: {  	[tilespmem:$0x1FEC0] =	vst v51;
	v51 =	vld [tilespmem:s20+$0x80]  }
0x79: {  	[tilespmem:$0x1FEF0] =	vst v57;
	v57 =	vld [tilespmem:s21+$0x80]  }
0x7a: {  	[tilespmem:$0x1FF40] =	vst v42;
	v42 =	vld [tilespmem:s20+$0x90]  }
0x7b: {  	[tilespmem:$0x1FF50] =	vst v43;
	v43 =	vld [tilespmem:s21+$0x90]  }
0x7c: {  	[tilespmem:$0x1FEE0] =	vst v35;
	v35 =	vld [tilespmem:s21+$0xD0]  }
0x7d: {  	v5 =	vmul.f32 v6, v5;
	v6 =	vmul.f32 v22, v21;
	v22 =	vld [tilespmem:s20+$0x130]  }
0x7e: {  	v30 =	vmul.f32 v30, v29;
	v29 =	vld [tilespmem:s21+$0x150]  }
0x7f: {  	v34 =	vmul.f32 v34, v33;
	v33 =	vld [tilespmem:s21+$0x160]  }
0x80: {  	[tilespmem:$0x1FDC0] =	vst v2;
	v2 =	vld [tilespmem:s21+$0xFFFFFEF0]  }
0x81: {  	[tilespmem:$0x1FF00] =	vst v51;
	v51 =	vld [tilespmem:s20+$0xA0]  }
0x82: {  	[tilespmem:$0x1FF10] =	vst v57;
	v57 =	vld [tilespmem:s21+$0xA0]  }
0x83: {  	[tilespmem:$0x1FF20] =	vst v42;
	v42 =	vld [tilespmem:s20+$0xB0]  }
0x84: {  	[tilespmem:$0x1FF30] =	vst v43;
	v43 =	vld [tilespmem:s21+$0xB0]  }
0x85: {  	v27 =	vmul.f32 v27, v36;
	v36 =	vld [tilespmem:s20+$0x1A0]  }
0x86: {  	v31 =	vmul.f32 v32, v31;
	v32 =	vmul.f32 v28, v41;
	v41 =	vld [tilespmem:$0x1FDC0]  }
0x87: {  	[tilespmem:$0x1FDD0] =	vst v2;
	v2 =	vld [tilespmem:s20+$0xFFFFFF20]  }
0x88: {  	[tilespmem:$0x1FF60] =	vst v51;
	v51 =	vld [tilespmem:s20+$0xE0]  }
0x89: {  	[tilespmem:$0x1FF70] =	vst v57;
	v57 =	vld [tilespmem:s20+$0xC0]  }
0x8a: {  	[tilespmem:$0x1FF90] =	vst v43;
	v43 =	vld [tilespmem:s20+$0xD0]  }
0x8b: {  	[tilespmem:$0x1FF80] =	vst v42;
	v42 =	vld [tilespmem:s21+$0xC0]  }
0x8c: {  	[tilespmem:$0x1FDE0] =	vst v2;
	v2 =	vld [tilespmem:s20+$0xFFFFFF30]  }
0x8d: {  	v37 =	vmul.f32 v38, v37;
	[tilespmem:$0x1FFA0] =	vst v51;
	v51 =	vld [tilespmem:s21+$0xE0]  }
0x8e: {  	v38 =	vmul.f32 v40, v39;
	v39 =	vmul.f32 v46, v45;
	v45 =	vld [tilespmem:$0x1FDD0]  }
0x8f: {  	v35 =	vmul.f32 v35, v43;
	v43 =	vld [tilespmem:s21+$0x1C0]  }
0x90: {  	v46 =	vld [tilespmem:$0x1FDE0]  }
0x91: {  	[tilespmem:$0x1FDF0] =	vst v2;
	v2 =	vld [tilespmem:s21+$0xFFFFFF30]  }
0x92: {  	[tilespmem:$0x1FFB0] =	vst v51;
	v51 =	vld [tilespmem:s20+$0xF0]  }
0x93: {  	v28 =	vmul.f32 v45, v41;
	v41 =	vld [tilespmem:$0x1FEB0]  }
0x94: {  	v45 =	vmul.f32 v44, v52;
	v52 =	vld [tilespmem:$0x1FF20]  }
0x95: {  	v40 =	vmul.f32 v48, v47;
	v47 =	vld [tilespmem:$0x1FDF0]  }
0x96: {  	[tilespmem:$0x1FE00] =	vst v2;
	v2 =	vld [tilespmem:s20+$0xFFFFFF70]  }
0x97: {  	[tilespmem:$0x1FFC0] =	vst v51;
	v51 =	vmul.f32 v8, v7;
	v7 =	vld [tilespmem:s21+$0xF0]  }
0x98: {  	v8 =	vld [tilespmem:s20+$0x100]  }
0x99: {  	v48 =	vld [tilespmem:$0x1FE00]  }
0x9a: {  	v5 =	vadd.f32 v51, v5;
	v51 =	vmul.f32 v10, v9;
	v9 =	vld [tilespmem:s21+$0x100]  }
0x9b: {  	v10 =	vmul.f32 v14, v13;
	v14 =	vld [tilespmem:s20+$0x110]  }
0x9c: {  	v13 =	vmul.f32 v16, v15;
	v16 =	vld [tilespmem:s21+$0x110]  }
0x9d: {  	v15 =	vmul.f32 v24, v23;
	v23 =	vmul.f32 v18, v17;
	v17 =	vld [tilespmem:s20+$0x120]  }
0x9e: {  	v24 =	vmul.f32 v20, v19;
	v19 =	vld [tilespmem:s21+$0x120]  }
0x9f: {  	[tilespmem:$0x1FE10] =	vst v2;
	v2 =	vld [tilespmem:s21+$0xFFFFFF70]  }
0xa0: {  	v20 =	vld [tilespmem:s20+$0x140]  }
0xa1: {  	v18 =	vadd.f32 v40, v39;
	v40 =	vld [tilespmem:$0x1FEA0]  }
0xa2: {  	v5 =	vadd.f32 v51, v5;
	v51 =	vld [tilespmem:$0x1FDB0]  }
0xa3: {  	v10 =	vadd.f32 v13, v10;
	v13 =	vadd.f32 v31, v30;
	v31 =	vld [tilespmem:s20+$0x160]  }
0xa4: {  	v49 =	vmul.f32 v50, v49;
	[tilespmem:$0x1FE20] =	vst v2;
	v2 =	vld [tilespmem:s20+$0xFFFFFFA0]  }
0xa5: {  	v26 =	vmul.f32 v26, v25;
	v6 =	vadd.f32 v15, v6;
	v15 =	vadd.f32 v38, v37;
	v38 =	vld [tilespmem:s21+$0x190]  }
0xa6: {  	v18 =	vadd.f32 v49, v18;
	v49 =	vld [tilespmem:$0x1FEF0]  }
0xa7: {  	v6 =	vadd.f32 v26, v6;
	v26 =	vld [tilespmem:s20+$0x150]  }
0xa8: {  	v50 =	vmul.f32 v54, v53;
	v53 =	vld [tilespmem:$0x1FE10]  }
0xa9: {  	[tilespmem:$0x1FE30] =	vst v2;
	v2 =	vld [tilespmem:s20+$0xFFFFFFB0]  }
0xaa: {  	v13 =	vadd.f32 v34, v13;
	v34 =	vld [tilespmem:s20+$0x180]  }
0xab: {  	v10 =	vadd.f32 v23, v10;
	v23 =	vmul.f32 v59, v46;
	v46 =	vld [tilespmem:$0x1FEC0]  }
0xac: {  	v30 =	vmul.f32 v48, v47;
	v47 =	vld [tilespmem:$0x1FED0]  }
0xad: {  	v48 =	vld [tilespmem:$0x1FEE0]  }
0xae: {  	[tilespmem:$0x1FE40] =	vst v2;
	v2 =	vld [tilespmem:s21+$0xFFFFFFB0]  }
0xaf: {  	v10 =	vadd.f32 v24, v10;
	v24 =	vld [tilespmem:s21+$0x140]  }
0xb0: {  	v13 =	vadd.f32 v28, v13;
	v28 =	vld [tilespmem:s20+$0x170];
	v21 =	vmul.f32 v60, v51  }
0xb1: {  	v6 =	vadd.f32 v32, v6;
	v32 =	vld [tilespmem:s21+$0x170]  }
0xb2: {  	v5 =	vadd.f32 v21, v5;
	v21 =	vld [tilespmem:s21+$0x130]  }
0xb3: {  	v51 =	vmul.f32 v56, v55;
	[tilespmem:$0x1FE50] =	vst v2;
	v2 =	vld [tilespmem:s20+$0xFFFFFFE0]  }
0xb4: {  	v54 =	vld [tilespmem:$0x1FE20]  }
0xb5: {  	v15 =	vadd.f32 v23, v15;
	v23 =	vadd.f32 v51, v50;
	v50 =	vld [tilespmem:$0x1FF00]  }
0xb6: {  	v51 =	vld [tilespmem:$0x1FF10]  }
0xb7: {  	v12 =	vmul.f32 v12, v63;
	v56 =	vmul.f32 v62, v61;
	v55 =	vld [tilespmem:$0x1FE30]  }
0xb8: {  	[tilespmem:$0x1FE60] =	vst v2;
	v2 =	vld [tilespmem:s21+$0xFFFFFFE0]  }
0xb9: {  	v12 =	vadd.f32 v12, v56;
	v56 =	vld [tilespmem:$0x1FF50]  }
0xba: {  	v25 =	vmul.f32 v54, v53;
	v53 =	vld [tilespmem:$0x1FF30]  }
0xbb: {  	v54 =	vmul.f32 v42, v57;
	v57 =	vld [tilespmem:$0x1FF60]  }
0xbc: {  	v15 =	vadd.f32 v30, v15;
	v30 =	vmul.f32 v58, v55;
	v58 =	vld [tilespmem:$0x1FE40]  }
0xbd: {  	[tilespmem:$0x1FE70] =	vst v2;
	v2 =	vld [tilespmem:s20+$0xFFFFFFF0]  }
0xbe: {  	v59 =	vld [tilespmem:$0x1FE50]  }
0xbf: {  	v60 =	vld [tilespmem:$0x1FE60]  }
0xc0: {  	v61 =	vld [tilespmem:$0x1FE70]  }
0xc1: {  	v55 =	vld [tilespmem:$0x1FF40]  }
0xc2: {  	[tilespmem:$0x1FE80] =	vst v2;
	v2 =	vld [tilespmem:s21+$0xFFFFFFF0]  }
0xc3: {  	v39 =	vmul.f32 v53, v52;
	v52 =	vld [tilespmem:$0x1FFC0]  }
0xc4: {  	v4 =	vmul.f32 v4, v11;
	v11 =	vmul.f32 v59, v58;
	v59 =	vld [tilespmem:$0x1FF80]  }
0xc5: {  	v18 =	vadd.f32 v25, v18;
	v25 =	vmul.f32 v61, v60;
	v62 =	vld [tilespmem:$0x1FE80]  }
0xc6: {  	v60 =	vld [tilespmem:$0x1FF90]  }
0xc7: {  	v12 =	vadd.f32 v25, v12;
	v25 =	vadd.f32 v27, v45;
	v27 =	vmul.f32 v49, v48;
	[tilespmem:$0x1FE90] =	vst v2;
	v2 =	vld [tilespmem:s21+$0x10]  }
0xc8: {  	v8 =	vmul.f32 v9, v8;
	v48 =	vmul.f32 v16, v14;
	v63 =	vld [tilespmem:$0x1FE90]  }
0xc9: {  	v21 =	vmul.f32 v21, v22;
	v23 =	vadd.f32 v30, v23;
	v30 =	vld [tilespmem:s20+$0x190];
	v25 =	vadd.f32 v27, v25  }
0xca: {  	v61 =	vld [tilespmem:$0x1FFA0];
	v27 =	vadd.f32 v35, v54;
	v8 =	vadd.f32 v48, v8;
	v54 =	vmul.f32 v19, v17  }
0xcb: {  	v42 =	vmul.f32 v56, v55;
	v7 =	vmul.f32 v7, v52;
	v49 =	vld [tilespmem:s21+$0x1D0]  }
0xcc: {  	v56 =	vmul.f32 v24, v20;
	v8 =	vadd.f32 v54, v8;
	v2 =	vmul.f32 v2, v3;
	v3 =	vld [tilespmem:s21+$0x180]  }
0xcd: {  	v11 =	vadd.f32 v11, v23;
	v44 =	vmul.f32 v60, v59;
	v37 =	vmul.f32 v63, v62;
	v62 =	vld [tilespmem:$0x1FFB0]  }
0xce: {  	v8 =	vadd.f32 v21, v8;
	v63 =	vld [tilespmem:s20+$0x1D0];
	v2 =	vadd.f32 v2, v4;
	v4 =	vmul.f32 v41, v40  }
0xcf: {  	v23 =	vld [tilespmem:s21+$0x1A0];
	v59 =	vmul.f32 v38, v30;
	v38 =	vperm.xlane v11, v0  }
0xd0: {  	v45 =	vperm.xlane v8, v0;
	v41 =	vld [tilespmem:s20+$0x1C0];
	v2 =	vadd.f32 v4, v2;
	v4 =	vmul.f32 v47, v46  }
0xd1: {  	v58 =	vld [tilespmem:$0x1FF70];
	v11 =	vadd.f32 v38, v11;
	v3 =	vmul.f32 v3, v34;
	v34 =	vperm.xlane v15, v0  }
0xd2: {  	v40 =	vld [tilespmem:s21+$0x1B0];
	v2 =	vadd.f32 v4, v2;
	v4 =	vmul.f32 v51, v50;
	v35 =	vmul.f32 v62, v61  }
0xd3: {  	v12 =	vadd.f32 v37, v12;
	v37 =	vld [tilespmem:s20+$0x1B0];
	v14 =	vmul.f32 v49, v63;
	v62 =	vmul.f32 v33, v31  }
0xd4: {  	v8 =	vadd.f32 v45, v8;
	v63 =	vmul.f32 v23, v36;
	v31 =	vperm.xlane v10, v0  }
0xd5: {  	v50 =	vadd.f32 v42, v25;
	v33 =	vperm.xlane v13, v0;
	v61 =	vmul.f32 v43, v41  }
0xd6: {  	v3 =	vadd.f32 v59, v3;
	v4 =	vadd.f32 v39, v4;
	v39 =	vmul.f32 v58, v57  }
0xd7: {  	v53 =	vld [tilespmem:s20+$0x1E0];
	v36 =	vadd.f32 v34, v15;
	v57 =	vmul.f32 v29, v26;
	v26 =	vmul.f32 v32, v28  }
0xd8: {  	v55 =	vld [tilespmem:s21+$0x1E0];
	v51 =	vadd.f32 v35, v27;
	v27 =	vmul.f32 v40, v37;
	v29 =	vperm.xlane v5, v0  }
0xd9: {  	v32 =	vperm.xlane v6, v0;
	v10 =	vadd.f32 v31, v10;
	v13 =	vadd.f32 v33, v13  }
0xda: {  	v35 =	vperm.xlane v18, v0;
	v14 =	vadd.f32 v14, v61;
	v3 =	vadd.f32 v63, v3  }
0xdb: {  	v40 =	vperm.xlane v2, v0;
	v4 =	vadd.f32 v39, v4;
	v7 =	vadd.f32 v7, v51  }
0xdc: {  	v60 =	vld [tilespmem:s21+$0x1F0];
	v41 =	vperm.xlane v50, v0;
	v19 =	vadd.f32 v57, v56;
	v5 =	vadd.f32 v29, v5  }
0xdd: {  	v17 =	vmul.f32 v55, v53;
	v58 =	vld [tilespmem:s20+$0x1F0];
	v6 =	vadd.f32 v32, v6;
	v37 =	vadd.f32 v35, v18  }
0xde: {  	v2 =	vadd.f32 v40, v2;
	v43 =	vadd.f32 v41, v50  }
0xdf: {  	v39 =	vperm.xlane v12, v0;
	v14 =	vadd.f32 v17, v14;
	v3 =	vadd.f32 v27, v3  }
0xe0: {  	v4 =	vadd.f32 v44, v4;
	v19 =	vadd.f32 v62, v19;
	v5 =	vsel vm3, v5, v10  }
0xe1: {  	v6 =	vsel vm3, v6, v13;
	v10 =	vsel vm3, v36, v37;
	v44 =	vperm.xlane v7, v0  }
0xe2: {  	v12 =	vadd.f32 v39, v12;
	v28 =	vmul.f32 v60, v58;
	v47 =	vperm.xlane v3, v0  }
0xe3: {  	v2 =	vsel vm3, v2, v43;
	v50 =	vperm.xlane v5, v1;
	v51 =	vperm.xlane v6, v1  }
0xe4: {  	v52 =	vperm.xlane v10, v1;
	v19 =	vadd.f32 v26, v19;
	v30 =	vadd.f32 v28, v14  }
0xe5: {  	v42 =	vperm.xlane v4, v0;
	v7 =	vadd.f32 v44, v7;
	v3 =	vadd.f32 v47, v3  }
0xe6: {  	v5 =	vadd.f32 v50, v5;
	v46 =	vperm.xlane v19, v0;
	v48 =	vperm.xlane v30, v0  }
0xe7: {  	v54 =	vperm.xlane v2, v1;
	v6 =	vadd.f32 v51, v6;
	v4 =	vadd.f32 v42, v4  }
0xe8: {  	v11 =	vsel vm3, v11, v12;
	v49 =	vadd.f32 v46, v19;
	v9 =	vadd.f32 v48, v30  }
0xe9: {  	v59 =	vld [tilespmem:$0x1FFD0];
	v53 =	vperm.xlane v11, v1;
	v2 =	vadd.f32 v54, v2;
	v4 =	vsel vm3, v4, v7  }
0xea: {  	v55 =	vperm.xlane v4, v1;
	v8 =	vsel vm3, v8, v49;
	v3 =	vsel vm3, v3, v9  }
0xeb: {  	v7 =	vadd.f32 v53, v11;
	v56 =	vperm.xlane v8, v1;
	v57 =	vperm.xlane v3, v1  }
0xec: {  	v9 =	vadd.f32 v52, v10;
	v4 =	vadd.f32 v55, v4  }
0xed: {  	v5 =	vsel vm0, v5, v6;
	v8 =	vadd.f32 v56, v8;
	v3 =	vadd.f32 v57, v3  }
0xee: {  	v60 =	vperm.xlane v5, v59;
	v58 =	vsel vm0, v9, v7  }
0xef: {  	v2 =	vsel vm0, v2, v4;
	v7 =	vperm.xlane v58, v59;
	v3 =	vsel vm0, v8, v3  }
0xf0: {  	v63 =	vld [tilespmem:$0x1FFE0];
	v61 =	vperm.xlane v2, v59;
	v9 =	vperm.xlane v3, v59  }
0xf1: {  	v4 =	vadd.f32 v60, v5;
	v62 =	vadd.f32 v7, v58  }
0xf2: {  	v2 =	vadd.f32 v61, v2;
	v3 =	vadd.f32 v9, v3;
	_ =	sdelay $0x1  }
0xf3: {  	v4 =	vsel vm1, v4, v62;
	v2 =	vsel vm1, v2, v3  }
0xf4: {  	v3 =	vperm.xlane v4, v63;
	v5 =	vperm.xlane v2, v63;
	_ =	sdelay $0x1  }
0xf5: {  	v3 =	vadd.f32 v3, v4;
	v2 =	vadd.f32 v5, v2;
	_ =	sdelay $0x1  }
0xf6: {  	v2 =	vsel vm2, v3, v2;
	v3 =	vld [tilespmem:$0x1FFF0]  }
0xf7: {  	s23 =	sadd.s32 $0x1, s23  }
0xf8: {  	p0 =	sne.s32 s23, $0x8  }
.Ltmp3:
0xf9: {  	_ = 	snop;
	(pc) =	sbr.rel @!p0 .LBB2_8-.Ltmp3, $3  }
0xfa: {  	_ = 	snop  }
0xfb: {  	v2 =	vperm.xlane v2, v3;
	_ =	sdelay $0x1  }
0xfc: {  	s21 =	sadd.s32 $0x400, s21;
	s20 =	sadd.s32 $0x400, s20;
	[tilespmem:s22+$0x0] =	vst v2;
	s22 =	sadd.s32 $0x10, s22  }
.LBB2_2:
0xfd: {  	p0 =	seq.s32 s23, $0x0  }
.Ltmp4:
0xfe: {  	_ = 	snop;
	(pc) =	sbr.rel @p0 .LBB2_3-.Ltmp4, $1  }
0xff: {  	_ =	sdelay $0x3  }
0x100: {  	p0 =	sne.s32 s23, $0x4  }
.Ltmp5:
0x101: {  	_ = 	snop;
	(pc) =	sbr.rel @p0 .LBB2_7-.Ltmp5, $1  }
0x102: {  	_ =	sdelay $0x3  }
.Ltmp6:
0x103: {  	(pc) =	sbr.rel .LBB2_6-.Ltmp6, $2  }
0x104: {  	_ =	sdelay $0x2  }
0x105: {  	s24 =	simm.s32 $0x3  }
.LBB2_9:
0x106: {  	_ =	sfence.sel $0x180000  }
0x107: {  	[bflag:$0x0] =	sbarrier.arrive $0xFFFF  }
0x108: {  	p0 =	sne.s32 s2, $0x0;
	_ =	strace $0x90000047  }
0x109: {  	s0 =	sadd.s32 @!p0 $0x100000, s0;
	[bflag:$0x2] =	sbarrier.arrive $0xFFFF  }
0x10a: {  	[sflag:s0] =	ssyncadd.tile.s32 @!p0 $0x1;
	_ =	shalt  }
.Lfunc_end2:
_tile_overlayer_lowered:
.L_overlay_start_2:
0x10b: {  	(tag) =	ssettag $0x2  }
0x10c: {  	s0 =	rddreg [dreg:$0x0];
	s2 =	stileid.u32  }
0x10d: {  	s1 =	rddreg [dreg:$0x1];
	p0 =	sne.s32 s2, $0x0  }
0x10e: {  	s3 =	rddreg [dreg:$0x2];
	[bflag:$0x3] =	sbarrier.arrive $0xFFFF;
	s2 =	simm.s32 @!p0 $0x1C04  }
0x10f: {  	[timem:s3], [sflag:s2] =	dma.local @!p0 [hbm:s0], s1  }
0x110: {  	s0 =	simm.s32 @!p0 $0x4  }
0x111: {  	_ =	swait.ge @!p0 [sflag:s0], s1  }
0x112: {  	s1 =	ssub.s32 @!p0 $0x0, s1;
	[sflag:s0] =	ssyncset.done @!p0 $0x0  }
0x113: {  	[sflag:s0] =	ssyncadd.s32 @!p0 s1  }
0x114: {  	[bflag:$0x3] =	sbarrier.arrive $0xFFFF  }
0x115: {  	_ =	shalt  }

</sc_bundles>
